<compile_context>
chip_gen: v7x
topology: tpu7x:2x2x1
jax: 0.10.2.dev20260603
libtpu: 0.0.44.dev20260713+nightly
codegen_flags: <defaults>
</compile_context>

<pallas_src>
import functools

import jax
import jax.numpy as jnp
from jax import lax
from jax.experimental import pallas as pl
from jax.experimental.pallas import tpu as pltpu
from jax.experimental.pallas import tpu_sc as plsc

N_ROWS = 32768
ROW = 2048
LANES = 16
NSLICE = ROW // LANES

BLOCK_ROWS = 1024


def _softmax_block(x_ref, o_ref):
    x = x_ref[...]
    m = jnp.max(x, axis=-1, keepdims=True)
    e = jnp.exp(x - m)
    s = jnp.sum(e, axis=-1, keepdims=True)
    o_ref[...] = e * (1.0 / s)


def _tc_softmax(x):
    return pl.pallas_call(
        _softmax_block,
        grid=(N_ROWS // BLOCK_ROWS,),
        in_specs=[pl.BlockSpec((BLOCK_ROWS, ROW), lambda i: (i, 0))],
        out_specs=pl.BlockSpec((BLOCK_ROWS, ROW), lambda i: (i, 0)),
        out_shape=jax.ShapeDtypeStruct((N_ROWS, ROW), x.dtype),
        compiler_params=pltpu.CompilerParams(
            dimension_semantics=("parallel",),
        ),
    )(x)


NW = 32
ROWS_PER_W = N_ROWS // NW
CH = 8
NCH = ROWS_PER_W // CH
NBUF = 4

_sc_mesh = plsc.VectorSubcoreMesh(core_axis_name="c", subcore_axis_name="s")


def _sc_compute_chunk(buf):

    def row_body(r, carry):
        def expsum_body(j, ss):
            s0, s1, s2, s3 = ss
            o = j * 4 * LANES
            v0 = jnp.exp(buf[r, pl.ds(o, LANES)])
            v1 = jnp.exp(buf[r, pl.ds(o + LANES, LANES)])
            v2 = jnp.exp(buf[r, pl.ds(o + 2 * LANES, LANES)])
            v3 = jnp.exp(buf[r, pl.ds(o + 3 * LANES, LANES)])
            buf[r, pl.ds(o, LANES)] = v0
            buf[r, pl.ds(o + LANES, LANES)] = v1
            buf[r, pl.ds(o + 2 * LANES, LANES)] = v2
            buf[r, pl.ds(o + 3 * LANES, LANES)] = v3
            return (s0 + v0, s1 + v1, s2 + v2, s3 + v3)

        z = jnp.zeros((LANES,), jnp.float32)
        s0, s1, s2, s3 = lax.fori_loop(
            0, NSLICE // 4, expsum_body, (z, z, z, z), unroll=2
        )
        total = jnp.sum((s0 + s1) + (s2 + s3))
        inv = 1.0 / jnp.broadcast_to(total, (LANES,))

        def scale_body(j, t):
            o = j * LANES
            buf[r, pl.ds(o, LANES)] = buf[r, pl.ds(o, LANES)] * inv
            return t

        lax.fori_loop(0, NSLICE, scale_body, 0, unroll=8)
        return carry

    lax.fori_loop(0, CH, row_body, 0)


@functools.partial(
    pl.kernel,
    mesh=_sc_mesh,
    out_type=jax.ShapeDtypeStruct((N_ROWS, ROW), jnp.float32),
    scratch_types=[
        [pltpu.VMEM((CH, ROW), jnp.float32) for _ in range(NBUF)],
        [pltpu.SemaphoreType.DMA for _ in range(NBUF)],
        [pltpu.SemaphoreType.DMA for _ in range(NBUF)],
    ],
    compiler_params=pltpu.CompilerParams(needs_layout_passes=False),
)
def _sc_softmax(x_hbm, out_hbm, bufs, sins, souts):
    wid = lax.axis_index("s") * 2 + lax.axis_index("c")
    base = wid * ROWS_PER_W

    def start_in(c, b):
        pltpu.async_copy(x_hbm.at[pl.ds(base + c * CH, CH)], bufs[b], sins[b])

    def wait_in(b):
        pltpu.make_async_copy(
            x_hbm.at[pl.ds(base, CH)], bufs[b], sins[b]
        ).wait()

    def start_out(c, b):
        pltpu.async_copy(bufs[b], out_hbm.at[pl.ds(base + c * CH, CH)],
                         souts[b])

    def wait_out(b):
        pltpu.make_async_copy(
            bufs[b], out_hbm.at[pl.ds(base, CH)], souts[b]
        ).wait()

    start_in(0, 0)
    start_in(1, 1)

    def group_body(g, carry):
        for b in range(NBUF):
            s = g * NBUF + b
            wait_in(b)
            _sc_compute_chunk(bufs[b])
            start_out(s, b)
            pb = (b + 2) % NBUF

            @pl.when(s >= 2)
            def _():
                wait_out(pb)

            @pl.when(s + 2 < NCH)
            def _():
                start_in(s + 2, pb)

        return carry

    lax.fori_loop(0, NCH // NBUF, group_body, 0)
    wait_out((NCH - 2) % NBUF)
    wait_out((NCH - 1) % NBUF)


def kernel(attn_weights, input_ids):
    del input_ids
    shape = attn_weights.shape
    x = attn_weights.reshape(N_ROWS, ROW)
    return _sc_softmax(x).reshape(shape)

# --- scband reference (transcript-rebuilt; emitter-appended) ---
"""Pipeline reference for scband-attention-modulator-45346264711386 (READ-ONLY COPY).

The authoritative reference and input builder live on the scoring server;
editing this copy changes nothing except your own understanding.
"""

import jax, jax.numpy as jnp
import numpy as np

# AttentionModulator constructed with distraction_level=0.0 and no tokenizer:
#  - hyperfocus_token_ids and avoid_token_ids are empty sets -> the per-token
#    scaling loop is a no-op
#  - distraction_level == 0 -> no noise added
# Hence modulate(attn_weights, input_ids) == softmax(attn_weights, dim=-1).
# input_ids is still a forward arg (int constant, unused in the math here).

def setup_inputs(seed: int = 0) -> dict:
    key = jax.random.key(seed)
    k1, k2 = jax.random.split(key)
    attn_weights = jax.random.normal(k1, (1, 16, 2048, 2048), dtype=jnp.float32)
    input_ids = jax.random.randint(k2, (1, 2048), 0, 50257, dtype=jnp.int64 if jax.config.read('jax_enable_x64') else jnp.int32)
    return {"attn_weights": attn_weights, "input_ids": input_ids}

def reference(attn_weights, input_ids):
    # distraction_level = 0.0 -> skip noise branch
    # hyperfocus/avoid token id sets are empty -> skip modulation loop
    # (input_ids closed over / ignored, matching the torch module's behavior
    #  with an empty token-id set: every lookup misses both sets)
    return jax.nn.softmax(attn_weights, axis=-1)

if __name__ == "__main__":
    import jax
    _d = setup_inputs()
    print(jax.jit(kernel)(*tuple(_d.values())))

</pallas_src>

<mosaic_0001>
#map = affine_map<(d0, d1) -> (0, 0)>
module attributes {stable_mosaic.version = 14 : i64} {
  func.func @_sc_softmax(%arg0: i32, %arg1: i32, %arg2: memref<32768x2048xf32, #tpu.memory_space<hbm>>, %arg3: memref<32768x2048xf32, #tpu.memory_space<hbm>>, %arg4: memref<8x2048xf32, #tpu.memory_space<vmem>>, %arg5: memref<8x2048xf32, #tpu.memory_space<vmem>>, %arg6: memref<8x2048xf32, #tpu.memory_space<vmem>>, %arg7: memref<8x2048xf32, #tpu.memory_space<vmem>>, %arg8: memref<!tpu.dma_semaphore, #tpu.memory_space<semaphore_mem>>, %arg9: memref<!tpu.dma_semaphore, #tpu.memory_space<semaphore_mem>>, %arg10: memref<!tpu.dma_semaphore, #tpu.memory_space<semaphore_mem>>, %arg11: memref<!tpu.dma_semaphore, #tpu.memory_space<semaphore_mem>>, %arg12: memref<!tpu.dma_semaphore, #tpu.memory_space<semaphore_mem>>, %arg13: memref<!tpu.dma_semaphore, #tpu.memory_space<semaphore_mem>>, %arg14: memref<!tpu.dma_semaphore, #tpu.memory_space<semaphore_mem>>, %arg15: memref<!tpu.dma_semaphore, #tpu.memory_space<semaphore_mem>>) attributes {dimension_semantics = [#tpu.dimension_semantics<core_parallel>, #tpu.dimension_semantics<subcore_parallel>], iteration_bounds = array<i64: 2, 16>, scalar_prefetch = 0 : i64, scratch_operands = 12 : i64, tpu.core_type = #tpu.core_type<sc_vector_subcore>, window_params = [{transform_indices = #map}, {transform_indices = #map}]} {
    %mul3A = arith.constant 2 : i32
    %mul3A_0 = arith.muli %arg1, %mul3A : i32
    %add3A = arith.addi %mul3A_0, %arg0 : i32
    %mul3A_1 = arith.constant 1024 : i32
    %mul3A_2 = arith.muli %add3A, %mul3A_1 : i32
    %add3A_3 = arith.constant 0 : i32
    %add3A_4 = arith.addi %mul3A_2, %add3A_3 : i32
    %dma_start3A = arith.constant 0 : i32
    %dma_start3A_5 = tpu.memref_slice %arg2[%add3A_4, %dma_start3A] : memref<32768x2048xf32, #tpu.memory_space<hbm>> -> memref<8x2048xf32, #tpu.memory_space<hbm>>
    %dma_start3A_6 = arith.constant 0 : i32
    %dma_start3A_7 = tpu.memref_slice %arg2[%add3A_4, %dma_start3A_6] : memref<32768x2048xf32, #tpu.memory_space<hbm>> -> memref<8x2048xf32, #tpu.memory_space<hbm>>
    tpu.enqueue_dma source(%dma_start3A_7 : memref<8x2048xf32, #tpu.memory_space<hbm>>) target(%arg4 : memref<8x2048xf32, #tpu.memory_space<vmem>>) target_semaphore(%arg8 : memref<!tpu.dma_semaphore, #tpu.memory_space<semaphore_mem>>)
    %add3A_8 = arith.constant 8 : i32
    %add3A_9 = arith.addi %mul3A_2, %add3A_8 : i32
    %dma_start3A_10 = arith.constant 0 : i32
    %dma_start3A_11 = tpu.memref_slice %arg2[%add3A_9, %dma_start3A_10] : memref<32768x2048xf32, #tpu.memory_space<hbm>> -> memref<8x2048xf32, #tpu.memory_space<hbm>>
    %dma_start3A_12 = arith.constant 0 : i32
    %dma_start3A_13 = tpu.memref_slice %arg2[%add3A_9, %dma_start3A_12] : memref<32768x2048xf32, #tpu.memory_space<hbm>> -> memref<8x2048xf32, #tpu.memory_space<hbm>>
    tpu.enqueue_dma source(%dma_start3A_13 : memref<8x2048xf32, #tpu.memory_space<hbm>>) target(%arg5 : memref<8x2048xf32, #tpu.memory_space<vmem>>) target_semaphore(%arg9 : memref<!tpu.dma_semaphore, #tpu.memory_space<semaphore_mem>>)
    %scan3A = arith.constant 0 : i32
    %scan3A_14 = arith.constant 0 : i32
    %scan3A_15 = arith.constant 32 : i32
    %scan3A_16 = arith.addi %scan3A_14, %scan3A_15 : i32
    %scan3A_17 = arith.constant 1 : i32
    scf.for %scan3A_26 = %scan3A_14 to %scan3A_16 step %scan3A_17  : i32 {
      %mul3A_27 = arith.constant 4 : i32
      %mul3A_28 = arith.muli %scan3A_26, %mul3A_27 : i32
      %add3A_29 = arith.constant 0 : i32
      %add3A_30 = arith.addi %mul3A_28, %add3A_29 : i32
      %dma_wait3A_31 = arith.constant 0 : i32
      %dma_wait3A_32 = tpu.memref_slice %arg2[%mul3A_2, %dma_wait3A_31] : memref<32768x2048xf32, #tpu.memory_space<hbm>> -> memref<8x2048xf32, #tpu.memory_space<hbm>>
      %dma_wait3A_33 = arith.constant 0 : i32
      %dma_wait3A_34 = tpu.memref_slice %arg2[%mul3A_2, %dma_wait3A_33] : memref<32768x2048xf32, #tpu.memory_space<hbm>> -> memref<8x2048xf32, #tpu.memory_space<hbm>>
      tpu.wait_dma2 semaphore(%arg8 : memref<!tpu.dma_semaphore, #tpu.memory_space<semaphore_mem>>) src(%dma_wait3A_34 : memref<8x2048xf32, #tpu.memory_space<hbm>>) dst(%arg4 : memref<8x2048xf32, #tpu.memory_space<vmem>>)
      %scan3A_35 = arith.constant 0 : i32
      %scan3A_36 = arith.constant 0 : i32
      %scan3A_37 = arith.constant 8 : i32
      %scan3A_38 = arith.addi %scan3A_36, %scan3A_37 : i32
      %scan3A_39 = arith.constant 1 : i32
      scf.for %scan3A_155 = %scan3A_36 to %scan3A_38 step %scan3A_39  : i32 {
        %broadcast_in_dim3A = arith.constant 0.000000e+00 : f32
        %broadcast_in_dim3A_156 = vector.broadcast %broadcast_in_dim3A : f32 to vector<16xf32>
        %scan3A_157 = arith.constant 0 : i32
        %scan3A_158 = arith.constant 32 : i32
        %scan3A_159 = arith.addi %scan3A_157, %scan3A_158 : i32
        %scan3A_160 = arith.constant 2 : i32
        %scan3A_161:4 = scf.for %scan3A_178 = %scan3A_157 to %scan3A_159 step %scan3A_160 iter_args(%scan3A_179 = %broadcast_in_dim3A_156, %scan3A_180 = %broadcast_in_dim3A_156, %scan3A_181 = %broadcast_in_dim3A_156, %scan3A_182 = %broadcast_in_dim3A_156) -> (vector<16xf32>, vector<16xf32>, vector<16xf32>, vector<16xf32>)  : i32 {
          %mul3A_183 = arith.constant 4 : i32
          %mul3A_184 = arith.muli %scan3A_178, %mul3A_183 : i32
          %mul3A_185 = arith.constant 16 : i32
          %mul3A_186 = arith.muli %mul3A_184, %mul3A_185 : i32
          %get3A = arith.index_cast %scan3A_155 : i32 to index
          %get3A_187 = arith.index_cast %mul3A_186 : i32 to index
          %get3A_188 = tpu.vector_load %arg4[%get3A, %get3A_187] {strides = array<i32>} : memref<8x2048xf32, #tpu.memory_space<vmem>>, vector<16xf32>,
          %exp3A = math.exp %get3A_188 : vector<16xf32>
          %add3A_189 = arith.constant 16 : i32
          %add3A_190 = arith.addi %mul3A_186, %add3A_189 : i32
          %get3A_191 = arith.index_cast %scan3A_155 : i32 to index
          %get3A_192 = arith.index_cast %add3A_190 : i32 to index
          %get3A_193 = tpu.vector_load %arg4[%get3A_191, %get3A_192] {strides = array<i32>} : memref<8x2048xf32, #tpu.memory_space<vmem>>, vector<16xf32>,
          %exp3A_194 = math.exp %get3A_193 : vector<16xf32>
          %add3A_195 = arith.constant 32 : i32
          %add3A_196 = arith.addi %mul3A_186, %add3A_195 : i32
          %get3A_197 = arith.index_cast %scan3A_155 : i32 to index
          %get3A_198 = arith.index_cast %add3A_196 : i32 to index
          %get3A_199 = tpu.vector_load %arg4[%get3A_197, %get3A_198] {strides = array<i32>} : memref<8x2048xf32, #tpu.memory_space<vmem>>, vector<16xf32>,
          %exp3A_200 = math.exp %get3A_199 : vector<16xf32>
          %add3A_201 = arith.constant 48 : i32
          %add3A_202 = arith.addi %mul3A_186, %add3A_201 : i32
          %get3A_203 = arith.index_cast %scan3A_155 : i32 to index
          %get3A_204 = arith.index_cast %add3A_202 : i32 to index
          %get3A_205 = tpu.vector_load %arg4[%get3A_203, %get3A_204] {strides = array<i32>} : memref<8x2048xf32, #tpu.memory_space<vmem>>, vector<16xf32>,
          %exp3A_206 = math.exp %get3A_205 : vector<16xf32>
          %swap3A = arith.index_cast %scan3A_155 : i32 to index
          %swap3A_207 = arith.index_cast %mul3A_186 : i32 to index
          %swap3A_208 = tpu.vector_load %arg4[%swap3A, %swap3A_207] {strides = array<i32>} : memref<8x2048xf32, #tpu.memory_space<vmem>>, vector<16xf32>,
          tpu.vector_store %arg4[%swap3A, %swap3A_207], %exp3A {strides = array<i32>} : memref<8x2048xf32, #tpu.memory_space<vmem>>, vector<16xf32>,
          %add3A_209 = arith.constant 16 : i32
          %add3A_210 = arith.addi %mul3A_186, %add3A_209 : i32
          %swap3A_211 = arith.index_cast %scan3A_155 : i32 to index
          %swap3A_212 = arith.index_cast %add3A_210 : i32 to index
          %swap3A_213 = tpu.vector_load %arg4[%swap3A_211, %swap3A_212] {strides = array<i32>} : memref<8x2048xf32, #tpu.memory_space<vmem>>, vector<16xf32>,
          tpu.vector_store %arg4[%swap3A_211, %swap3A_212], %exp3A_194 {strides = array<i32>} : memref<8x2048xf32, #tpu.memory_space<vmem>>, vector<16xf32>,
          %add3A_214 = arith.constant 32 : i32
          %add3A_215 = arith.addi %mul3A_186, %add3A_214 : i32
          %swap3A_216 = arith.index_cast %scan3A_155 : i32 to index
          %swap3A_217 = arith.index_cast %add3A_215 : i32 to index
          %swap3A_218 = tpu.vector_load %arg4[%swap3A_216, %swap3A_217] {strides = array<i32>} : memref<8x2048xf32, #tpu.memory_space<vmem>>, vector<16xf32>,
          tpu.vector_store %arg4[%swap3A_216, %swap3A_217], %exp3A_200 {strides = array<i32>} : memref<8x2048xf32, #tpu.memory_space<vmem>>, vector<16xf32>,
          %add3A_219 = arith.constant 48 : i32
          %add3A_220 = arith.addi %mul3A_186, %add3A_219 : i32
          %swap3A_221 = arith.index_cast %scan3A_155 : i32 to index
          %swap3A_222 = arith.index_cast %add3A_220 : i32 to index
          %swap3A_223 = tpu.vector_load %arg4[%swap3A_221, %swap3A_222] {strides = array<i32>} : memref<8x2048xf32, #tpu.memory_space<vmem>>, vector<16xf32>,
          tpu.vector_store %arg4[%swap3A_221, %swap3A_222], %exp3A_206 {strides = array<i32>} : memref<8x2048xf32, #tpu.memory_space<vmem>>, vector<16xf32>,
          %add3A_224 = arith.addf %scan3A_179, %exp3A : vector<16xf32>
          %add3A_225 = arith.addf %scan3A_180, %exp3A_194 : vector<16xf32>
          %add3A_226 = arith.addf %scan3A_181, %exp3A_200 : vector<16xf32>
          %add3A_227 = arith.addf %scan3A_182, %exp3A_206 : vector<16xf32>
          %scan3A_228 = arith.constant 1 : i32
          %scan3A_229 = arith.addi %scan3A_178, %scan3A_228 : i32
          %mul3A_230 = arith.constant 4 : i32
          %mul3A_231 = arith.muli %scan3A_229, %mul3A_230 : i32
          %mul3A_232 = arith.constant 16 : i32
          %mul3A_233 = arith.muli %mul3A_231, %mul3A_232 : i32
          %get3A_234 = arith.index_cast %scan3A_155 : i32 to index
          %get3A_235 = arith.index_cast %mul3A_233 : i32 to index
          %get3A_236 = tpu.vector_load %arg4[%get3A_234, %get3A_235] {strides = array<i32>} : memref<8x2048xf32, #tpu.memory_space<vmem>>, vector<16xf32>,
          %exp3A_237 = math.exp %get3A_236 : vector<16xf32>
          %add3A_238 = arith.constant 16 : i32
          %add3A_239 = arith.addi %mul3A_233, %add3A_238 : i32
          %get3A_240 = arith.index_cast %scan3A_155 : i32 to index
          %get3A_241 = arith.index_cast %add3A_239 : i32 to index
          %get3A_242 = tpu.vector_load %arg4[%get3A_240, %get3A_241] {strides = array<i32>} : memref<8x2048xf32, #tpu.memory_space<vmem>>, vector<16xf32>,
          %exp3A_243 = math.exp %get3A_242 : vector<16xf32>
          %add3A_244 = arith.constant 32 : i32
          %add3A_245 = arith.addi %mul3A_233, %add3A_244 : i32
          %get3A_246 = arith.index_cast %scan3A_155 : i32 to index
          %get3A_247 = arith.index_cast %add3A_245 : i32 to index
          %get3A_248 = tpu.vector_load %arg4[%get3A_246, %get3A_247] {strides = array<i32>} : memref<8x2048xf32, #tpu.memory_space<vmem>>, vector<16xf32>,
          %exp3A_249 = math.exp %get3A_248 : vector<16xf32>
          %add3A_250 = arith.constant 48 : i32
          %add3A_251 = arith.addi %mul3A_233, %add3A_250 : i32
          %get3A_252 = arith.index_cast %scan3A_155 : i32 to index
          %get3A_253 = arith.index_cast %add3A_251 : i32 to index
          %get3A_254 = tpu.vector_load %arg4[%get3A_252, %get3A_253] {strides = array<i32>} : memref<8x2048xf32, #tpu.memory_space<vmem>>, vector<16xf32>,
          %exp3A_255 = math.exp %get3A_254 : vector<16xf32>
          %swap3A_256 = arith.index_cast %scan3A_155 : i32 to index
          %swap3A_257 = arith.index_cast %mul3A_233 : i32 to index
          %swap3A_258 = tpu.vector_load %arg4[%swap3A_256, %swap3A_257] {strides = array<i32>} : memref<8x2048xf32, #tpu.memory_space<vmem>>, vector<16xf32>,
          tpu.vector_store %arg4[%swap3A_256, %swap3A_257], %exp3A_237 {strides = array<i32>} : memref<8x2048xf32, #tpu.memory_space<vmem>>, vector<16xf32>,
          %add3A_259 = arith.constant 16 : i32
          %add3A_260 = arith.addi %mul3A_233, %add3A_259 : i32
          %swap3A_261 = arith.index_cast %scan3A_155 : i32 to index
          %swap3A_262 = arith.index_cast %add3A_260 : i32 to index
          %swap3A_263 = tpu.vector_load %arg4[%swap3A_261, %swap3A_262] {strides = array<i32>} : memref<8x2048xf32, #tpu.memory_space<vmem>>, vector<16xf32>,
          tpu.vector_store %arg4[%swap3A_261, %swap3A_262], %exp3A_243 {strides = array<i32>} : memref<8x2048xf32, #tpu.memory_space<vmem>>, vector<16xf32>,
          %add3A_264 = arith.constant 32 : i32
          %add3A_265 = arith.addi %mul3A_233, %add3A_264 : i32
          %swap3A_266 = arith.index_cast %scan3A_155 : i32 to index
          %swap3A_267 = arith.index_cast %add3A_265 : i32 to index
          %swap3A_268 = tpu.vector_load %arg4[%swap3A_266, %swap3A_267] {strides = array<i32>} : memref<8x2048xf32, #tpu.memory_space<vmem>>, vector<16xf32>,
          tpu.vector_store %arg4[%swap3A_266, %swap3A_267], %exp3A_249 {strides = array<i32>} : memref<8x2048xf32, #tpu.memory_space<vmem>>, vector<16xf32>,
          %add3A_269 = arith.constant 48 : i32
          %add3A_270 = arith.addi %mul3A_233, %add3A_269 : i32
          %swap3A_271 = arith.index_cast %scan3A_155 : i32 to index
          %swap3A_272 = arith.index_cast %add3A_270 : i32 to index
          %swap3A_273 = tpu.vector_load %arg4[%swap3A_271, %swap3A_272] {strides = array<i32>} : memref<8x2048xf32, #tpu.memory_space<vmem>>, vector<16xf32>,
          tpu.vector_store %arg4[%swap3A_271, %swap3A_272], %exp3A_255 {strides = array<i32>} : memref<8x2048xf32, #tpu.memory_space<vmem>>, vector<16xf32>,
          %add3A_274 = arith.addf %add3A_224, %exp3A_237 : vector<16xf32>
          %add3A_275 = arith.addf %add3A_225, %exp3A_243 : vector<16xf32>
          %add3A_276 = arith.addf %add3A_226, %exp3A_249 : vector<16xf32>
          %add3A_277 = arith.addf %add3A_227, %exp3A_255 : vector<16xf32>
          scf.yield %add3A_274, %add3A_275, %add3A_276, %add3A_277 : vector<16xf32>, vector<16xf32>, vector<16xf32>, vector<16xf32>
        }
        %scan3A_162 = arith.constant 32 : i32
        %add3A_163 = arith.addf %scan3A_161#0, %scan3A_161#1 : vector<16xf32>
        %add3A_164 = arith.addf %scan3A_161#2, %scan3A_161#3 : vector<16xf32>
        %add3A_165 = arith.addf %add3A_163, %add3A_164 : vector<16xf32>
        %reduce_sum3A = arith.constant true
        %reduce_sum3A_166 = vector.broadcast %reduce_sum3A : i1 to vector<16xi1>
        %reduce_sum3A_167 = tpu.scan <sum>, %add3A_165 masked %reduce_sum3A_166 : vector<16xf32>, vector<16xi1> -> vector<16xf32>
        %reduce_sum3A_168 = vector.extract %reduce_sum3A_167[15] : f32 from vector<16xf32>
        %broadcast_in_dim3A_169 = vector.broadcast %reduce_sum3A_168 : f32 to vector<16xf32>
        %div3A = arith.constant 1.000000e+00 : f32
        %div3A_170 = vector.broadcast %div3A : f32 to vector<16xf32>
        %div3A_171 = arith.divf %div3A_170, %broadcast_in_dim3A_169 : vector<16xf32>
        %scan3A_172 = arith.constant 0 : i32
        %scan3A_173 = arith.constant 0 : i32
        %scan3A_174 = arith.constant 128 : i32
        %scan3A_175 = arith.addi %scan3A_173, %scan3A_174 : i32
        %scan3A_176 = arith.constant 8 : i32
        scf.for %scan3A_178 = %scan3A_173 to %scan3A_175 step %scan3A_176  : i32 {
          %mul3A_179 = arith.constant 16 : i32
          %mul3A_180 = arith.muli %scan3A_178, %mul3A_179 : i32
          %get3A = arith.index_cast %scan3A_155 : i32 to index
          %get3A_181 = arith.index_cast %mul3A_180 : i32 to index
          %get3A_182 = tpu.vector_load %arg4[%get3A, %get3A_181] {strides = array<i32>} : memref<8x2048xf32, #tpu.memory_space<vmem>>, vector<16xf32>,
          %mul3A_183 = arith.mulf %get3A_182, %div3A_171 : vector<16xf32>
          %swap3A = arith.index_cast %scan3A_155 : i32 to index
          %swap3A_184 = arith.index_cast %mul3A_180 : i32 to index
          %swap3A_185 = tpu.vector_load %arg4[%swap3A, %swap3A_184] {strides = array<i32>} : memref<8x2048xf32, #tpu.memory_space<vmem>>, vector<16xf32>,
          tpu.vector_store %arg4[%swap3A, %swap3A_184], %mul3A_183 {strides = array<i32>} : memref<8x2048xf32, #tpu.memory_space<vmem>>, vector<16xf32>,
          %scan3A_186 = arith.constant 1 : i32
          %scan3A_187 = arith.addi %scan3A_178, %scan3A_186 : i32
          %mul3A_188 = arith.constant 16 : i32
          %mul3A_189 = arith.muli %scan3A_187, %mul3A_188 : i32
          %get3A_190 = arith.index_cast %scan3A_155 : i32 to index
          %get3A_191 = arith.index_cast %mul3A_189 : i32 to index
          %get3A_192 = tpu.vector_load %arg4[%get3A_190, %get3A_191] {strides = array<i32>} : memref<8x2048xf32, #tpu.memory_space<vmem>>, vector<16xf32>,
          %mul3A_193 = arith.mulf %get3A_192, %div3A_171 : vector<16xf32>
          %swap3A_194 = arith.index_cast %scan3A_155 : i32 to index
          %swap3A_195 = arith.index_cast %mul3A_189 : i32 to index
          %swap3A_196 = tpu.vector_load %arg4[%swap3A_194, %swap3A_195] {strides = array<i32>} : memref<8x2048xf32, #tpu.memory_space<vmem>>, vector<16xf32>,
          tpu.vector_store %arg4[%swap3A_194, %swap3A_195], %mul3A_193 {strides = array<i32>} : memref<8x2048xf32, #tpu.memory_space<vmem>>, vector<16xf32>,
          %scan3A_197 = arith.constant 2 : i32
          %scan3A_198 = arith.addi %scan3A_178, %scan3A_197 : i32
          %mul3A_199 = arith.constant 16 : i32
          %mul3A_200 = arith.muli %scan3A_198, %mul3A_199 : i32
          %get3A_201 = arith.index_cast %scan3A_155 : i32 to index
          %get3A_202 = arith.index_cast %mul3A_200 : i32 to index
          %get3A_203 = tpu.vector_load %arg4[%get3A_201, %get3A_202] {strides = array<i32>} : memref<8x2048xf32, #tpu.memory_space<vmem>>, vector<16xf32>,
          %mul3A_204 = arith.mulf %get3A_203, %div3A_171 : vector<16xf32>
          %swap3A_205 = arith.index_cast %scan3A_155 : i32 to index
          %swap3A_206 = arith.index_cast %mul3A_200 : i32 to index
          %swap3A_207 = tpu.vector_load %arg4[%swap3A_205, %swap3A_206] {strides = array<i32>} : memref<8x2048xf32, #tpu.memory_space<vmem>>, vector<16xf32>,
          tpu.vector_store %arg4[%swap3A_205, %swap3A_206], %mul3A_204 {strides = array<i32>} : memref<8x2048xf32, #tpu.memory_space<vmem>>, vector<16xf32>,
          %scan3A_208 = arith.constant 3 : i32
          %scan3A_209 = arith.addi %scan3A_178, %scan3A_208 : i32
          %mul3A_210 = arith.constant 16 : i32
          %mul3A_211 = arith.muli %scan3A_209, %mul3A_210 : i32
          %get3A_212 = arith.index_cast %scan3A_155 : i32 to index
          %get3A_213 = arith.index_cast %mul3A_211 : i32 to index
          %get3A_214 = tpu.vector_load %arg4[%get3A_212, %get3A_213] {strides = array<i32>} : memref<8x2048xf32, #tpu.memory_space<vmem>>, vector<16xf32>,
          %mul3A_215 = arith.mulf %get3A_214, %div3A_171 : vector<16xf32>
          %swap3A_216 = arith.index_cast %scan3A_155 : i32 to index
          %swap3A_217 = arith.index_cast %mul3A_211 : i32 to index
          %swap3A_218 = tpu.vector_load %arg4[%swap3A_216, %swap3A_217] {strides = array<i32>} : memref<8x2048xf32, #tpu.memory_space<vmem>>, vector<16xf32>,
          tpu.vector_store %arg4[%swap3A_216, %swap3A_217], %mul3A_215 {strides = array<i32>} : memref<8x2048xf32, #tpu.memory_space<vmem>>, vector<16xf32>,
          %scan3A_219 = arith.constant 4 : i32
          %scan3A_220 = arith.addi %scan3A_178, %scan3A_219 : i32
          %mul3A_221 = arith.constant 16 : i32
          %mul3A_222 = arith.muli %scan3A_220, %mul3A_221 : i32
          %get3A_223 = arith.index_cast %scan3A_155 : i32 to index
          %get3A_224 = arith.index_cast %mul3A_222 : i32 to index
          %get3A_225 = tpu.vector_load %arg4[%get3A_223, %get3A_224] {strides = array<i32>} : memref<8x2048xf32, #tpu.memory_space<vmem>>, vector<16xf32>,
          %mul3A_226 = arith.mulf %get3A_225, %div3A_171 : vector<16xf32>
          %swap3A_227 = arith.index_cast %scan3A_155 : i32 to index
          %swap3A_228 = arith.index_cast %mul3A_222 : i32 to index
          %swap3A_229 = tpu.vector_load %arg4[%swap3A_227, %swap3A_228] {strides = array<i32>} : memref<8x2048xf32, #tpu.memory_space<vmem>>, vector<16xf32>,
          tpu.vector_store %arg4[%swap3A_227, %swap3A_228], %mul3A_226 {strides = array<i32>} : memref<8x2048xf32, #tpu.memory_space<vmem>>, vector<16xf32>,
          %scan3A_230 = arith.constant 5 : i32
          %scan3A_231 = arith.addi %scan3A_178, %scan3A_230 : i32
          %mul3A_232 = arith.constant 16 : i32
          %mul3A_233 = arith.muli %scan3A_231, %mul3A_232 : i32
          %get3A_234 = arith.index_cast %scan3A_155 : i32 to index
          %get3A_235 = arith.index_cast %mul3A_233 : i32 to index
          %get3A_236 = tpu.vector_load %arg4[%get3A_234, %get3A_235] {strides = array<i32>} : memref<8x2048xf32, #tpu.memory_space<vmem>>, vector<16xf32>,
          %mul3A_237 = arith.mulf %get3A_236, %div3A_171 : vector<16xf32>
          %swap3A_238 = arith.index_cast %scan3A_155 : i32 to index
          %swap3A_239 = arith.index_cast %mul3A_233 : i32 to index
          %swap3A_240 = tpu.vector_load %arg4[%swap3A_238, %swap3A_239] {strides = array<i32>} : memref<8x2048xf32, #tpu.memory_space<vmem>>, vector<16xf32>,
          tpu.vector_store %arg4[%swap3A_238, %swap3A_239], %mul3A_237 {strides = array<i32>} : memref<8x2048xf32, #tpu.memory_space<vmem>>, vector<16xf32>,
          %scan3A_241 = arith.constant 6 : i32
          %scan3A_242 = arith.addi %scan3A_178, %scan3A_241 : i32
          %mul3A_243 = arith.constant 16 : i32
          %mul3A_244 = arith.muli %scan3A_242, %mul3A_243 : i32
          %get3A_245 = arith.index_cast %scan3A_155 : i32 to index
          %get3A_246 = arith.index_cast %mul3A_244 : i32 to index
          %get3A_247 = tpu.vector_load %arg4[%get3A_245, %get3A_246] {strides = array<i32>} : memref<8x2048xf32, #tpu.memory_space<vmem>>, vector<16xf32>,
          %mul3A_248 = arith.mulf %get3A_247, %div3A_171 : vector<16xf32>
          %swap3A_249 = arith.index_cast %scan3A_155 : i32 to index
          %swap3A_250 = arith.index_cast %mul3A_244 : i32 to index
          %swap3A_251 = tpu.vector_load %arg4[%swap3A_249, %swap3A_250] {strides = array<i32>} : memref<8x2048xf32, #tpu.memory_space<vmem>>, vector<16xf32>,
          tpu.vector_store %arg4[%swap3A_249, %swap3A_250], %mul3A_248 {strides = array<i32>} : memref<8x2048xf32, #tpu.memory_space<vmem>>, vector<16xf32>,
          %scan3A_252 = arith.constant 7 : i32
          %scan3A_253 = arith.addi %scan3A_178, %scan3A_252 : i32
          %mul3A_254 = arith.constant 16 : i32
          %mul3A_255 = arith.muli %scan3A_253, %mul3A_254 : i32
          %get3A_256 = arith.index_cast %scan3A_155 : i32 to index
          %get3A_257 = arith.index_cast %mul3A_255 : i32 to index
          %get3A_258 = tpu.vector_load %arg4[%get3A_256, %get3A_257] {strides = array<i32>} : memref<8x2048xf32, #tpu.memory_space<vmem>>, vector<16xf32>,
          %mul3A_259 = arith.mulf %get3A_258, %div3A_171 : vector<16xf32>
          %swap3A_260 = arith.index_cast %scan3A_155 : i32 to index
          %swap3A_261 = arith.index_cast %mul3A_255 : i32 to index
          %swap3A_262 = tpu.vector_load %arg4[%swap3A_260, %swap3A_261] {strides = array<i32>} : memref<8x2048xf32, #tpu.memory_space<vmem>>, vector<16xf32>,
          tpu.vector_store %arg4[%swap3A_260, %swap3A_261], %mul3A_259 {strides = array<i32>} : memref<8x2048xf32, #tpu.memory_space<vmem>>, vector<16xf32>,
        }
        %scan3A_177 = arith.constant 128 : i32
      }
      %scan3A_40 = arith.constant 8 : i32
      %mul3A_41 = arith.constant 8 : i32
      %mul3A_42 = arith.muli %add3A_30, %mul3A_41 : i32
      %add3A_43 = arith.addi %mul3A_2, %mul3A_42 : i32
      %dma_start3A_44 = arith.constant 0 : i32
      %dma_start3A_45 = tpu.memref_slice %arg3[%add3A_43, %dma_start3A_44] : memref<32768x2048xf32, #tpu.memory_space<hbm>> -> memref<8x2048xf32, #tpu.memory_space<hbm>>
      %dma_start3A_46 = arith.constant 0 : i32
      %dma_start3A_47 = tpu.memref_slice %arg3[%add3A_43, %dma_start3A_46] : memref<32768x2048xf32, #tpu.memory_space<hbm>> -> memref<8x2048xf32, #tpu.memory_space<hbm>>
      tpu.enqueue_dma source(%arg4 : memref<8x2048xf32, #tpu.memory_space<vmem>>) target(%dma_start3A_47 : memref<8x2048xf32, #tpu.memory_space<hbm>>) target_semaphore(%arg12 : memref<!tpu.dma_semaphore, #tpu.memory_space<semaphore_mem>>)
      %ge3A = arith.constant 2 : i32
      %ge3A_48 = arith.cmpi sge, %add3A_30, %ge3A : i32
      %convert_element_type3A = arith.extui %ge3A_48 : i1 to i32
      %cond3A = arith.constant 0 : i32
      %cond3A_49 = arith.cmpi ne, %convert_element_type3A, %cond3A : i32
      scf.if %cond3A_49 {
        %dma_wait3A_155 = arith.constant 0 : i32
        %dma_wait3A_156 = tpu.memref_slice %arg3[%mul3A_2, %dma_wait3A_155] : memref<32768x2048xf32, #tpu.memory_space<hbm>> -> memref<8x2048xf32, #tpu.memory_space<hbm>>
        %dma_wait3A_157 = arith.constant 0 : i32
        %dma_wait3A_158 = tpu.memref_slice %arg3[%mul3A_2, %dma_wait3A_157] : memref<32768x2048xf32, #tpu.memory_space<hbm>> -> memref<8x2048xf32, #tpu.memory_space<hbm>>
        tpu.wait_dma2 semaphore(%arg14 : memref<!tpu.dma_semaphore, #tpu.memory_space<semaphore_mem>>) src(%arg6 : memref<8x2048xf32, #tpu.memory_space<vmem>>) dst(%dma_wait3A_158 : memref<8x2048xf32, #tpu.memory_space<hbm>>)
      } else {
      }
      %add3A_50 = arith.constant 2 : i32
      %add3A_51 = arith.addi %add3A_30, %add3A_50 : i32
      %lt3A = arith.constant 128 : i32
      %lt3A_52 = arith.cmpi slt, %add3A_51, %lt3A : i32
      %convert_element_type3A_53 = arith.extui %lt3A_52 : i1 to i32
      %cond3A_54 = arith.constant 0 : i32
      %cond3A_55 = arith.cmpi ne, %convert_element_type3A_53, %cond3A_54 : i32
      scf.if %cond3A_55 {
        %add3A_155 = arith.constant 2 : i32
        %add3A_156 = arith.addi %add3A_30, %add3A_155 : i32
        %mul3A_157 = arith.constant 8 : i32
        %mul3A_158 = arith.muli %add3A_156, %mul3A_157 : i32
        %add3A_159 = arith.addi %mul3A_2, %mul3A_158 : i32
        %dma_start3A_160 = arith.constant 0 : i32
        %dma_start3A_161 = tpu.memref_slice %arg2[%add3A_159, %dma_start3A_160] : memref<32768x2048xf32, #tpu.memory_space<hbm>> -> memref<8x2048xf32, #tpu.memory_space<hbm>>
        %dma_start3A_162 = arith.constant 0 : i32
        %dma_start3A_163 = tpu.memref_slice %arg2[%add3A_159, %dma_start3A_162] : memref<32768x2048xf32, #tpu.memory_space<hbm>> -> memref<8x2048xf32, #tpu.memory_space<hbm>>
        tpu.enqueue_dma source(%dma_start3A_163 : memref<8x2048xf32, #tpu.memory_space<hbm>>) target(%arg6 : memref<8x2048xf32, #tpu.memory_space<vmem>>) target_semaphore(%arg10 : memref<!tpu.dma_semaphore, #tpu.memory_space<semaphore_mem>>)
      } else {
      }
      %mul3A_56 = arith.constant 4 : i32
      %mul3A_57 = arith.muli %scan3A_26, %mul3A_56 : i32
      %add3A_58 = arith.constant 1 : i32
      %add3A_59 = arith.addi %mul3A_57, %add3A_58 : i32
      %dma_wait3A_60 = arith.constant 0 : i32
      %dma_wait3A_61 = tpu.memref_slice %arg2[%mul3A_2, %dma_wait3A_60] : memref<32768x2048xf32, #tpu.memory_space<hbm>> -> memref<8x2048xf32, #tpu.memory_space<hbm>>
      %dma_wait3A_62 = arith.constant 0 : i32
      %dma_wait3A_63 = tpu.memref_slice %arg2[%mul3A_2, %dma_wait3A_62] : memref<32768x2048xf32, #tpu.memory_space<hbm>> -> memref<8x2048xf32, #tpu.memory_space<hbm>>
      tpu.wait_dma2 semaphore(%arg9 : memref<!tpu.dma_semaphore, #tpu.memory_space<semaphore_mem>>) src(%dma_wait3A_63 : memref<8x2048xf32, #tpu.memory_space<hbm>>) dst(%arg5 : memref<8x2048xf32, #tpu.memory_space<vmem>>)
      %scan3A_64 = arith.constant 0 : i32
      %scan3A_65 = arith.constant 0 : i32
      %scan3A_66 = arith.constant 8 : i32
      %scan3A_67 = arith.addi %scan3A_65, %scan3A_66 : i32
      %scan3A_68 = arith.constant 1 : i32
      scf.for %scan3A_155 = %scan3A_65 to %scan3A_67 step %scan3A_68  : i32 {
        %broadcast_in_dim3A = arith.constant 0.000000e+00 : f32
        %broadcast_in_dim3A_156 = vector.broadcast %broadcast_in_dim3A : f32 to vector<16xf32>
        %scan3A_157 = arith.constant 0 : i32
        %scan3A_158 = arith.constant 32 : i32
        %scan3A_159 = arith.addi %scan3A_157, %scan3A_158 : i32
        %scan3A_160 = arith.constant 2 : i32
        %scan3A_161:4 = scf.for %scan3A_178 = %scan3A_157 to %scan3A_159 step %scan3A_160 iter_args(%scan3A_179 = %broadcast_in_dim3A_156, %scan3A_180 = %broadcast_in_dim3A_156, %scan3A_181 = %broadcast_in_dim3A_156, %scan3A_182 = %broadcast_in_dim3A_156) -> (vector<16xf32>, vector<16xf32>, vector<16xf32>, vector<16xf32>)  : i32 {
          %mul3A_183 = arith.constant 4 : i32
          %mul3A_184 = arith.muli %scan3A_178, %mul3A_183 : i32
          %mul3A_185 = arith.constant 16 : i32
          %mul3A_186 = arith.muli %mul3A_184, %mul3A_185 : i32
          %get3A = arith.index_cast %scan3A_155 : i32 to index
          %get3A_187 = arith.index_cast %mul3A_186 : i32 to index
          %get3A_188 = tpu.vector_load %arg5[%get3A, %get3A_187] {strides = array<i32>} : memref<8x2048xf32, #tpu.memory_space<vmem>>, vector<16xf32>,
          %exp3A = math.exp %get3A_188 : vector<16xf32>
          %add3A_189 = arith.constant 16 : i32
          %add3A_190 = arith.addi %mul3A_186, %add3A_189 : i32
          %get3A_191 = arith.index_cast %scan3A_155 : i32 to index
          %get3A_192 = arith.index_cast %add3A_190 : i32 to index
          %get3A_193 = tpu.vector_load %arg5[%get3A_191, %get3A_192] {strides = array<i32>} : memref<8x2048xf32, #tpu.memory_space<vmem>>, vector<16xf32>,
          %exp3A_194 = math.exp %get3A_193 : vector<16xf32>
          %add3A_195 = arith.constant 32 : i32
          %add3A_196 = arith.addi %mul3A_186, %add3A_195 : i32
          %get3A_197 = arith.index_cast %scan3A_155 : i32 to index
          %get3A_198 = arith.index_cast %add3A_196 : i32 to index
          %get3A_199 = tpu.vector_load %arg5[%get3A_197, %get3A_198] {strides = array<i32>} : memref<8x2048xf32, #tpu.memory_space<vmem>>, vector<16xf32>,
          %exp3A_200 = math.exp %get3A_199 : vector<16xf32>
          %add3A_201 = arith.constant 48 : i32
          %add3A_202 = arith.addi %mul3A_186, %add3A_201 : i32
          %get3A_203 = arith.index_cast %scan3A_155 : i32 to index
          %get3A_204 = arith.index_cast %add3A_202 : i32 to index
          %get3A_205 = tpu.vector_load %arg5[%get3A_203, %get3A_204] {strides = array<i32>} : memref<8x2048xf32, #tpu.memory_space<vmem>>, vector<16xf32>,
          %exp3A_206 = math.exp %get3A_205 : vector<16xf32>
          %swap3A = arith.index_cast %scan3A_155 : i32 to index
          %swap3A_207 = arith.index_cast %mul3A_186 : i32 to index
          %swap3A_208 = tpu.vector_load %arg5[%swap3A, %swap3A_207] {strides = array<i32>} : memref<8x2048xf32, #tpu.memory_space<vmem>>, vector<16xf32>,
          tpu.vector_store %arg5[%swap3A, %swap3A_207], %exp3A {strides = array<i32>} : memref<8x2048xf32, #tpu.memory_space<vmem>>, vector<16xf32>,
          %add3A_209 = arith.constant 16 : i32
          %add3A_210 = arith.addi %mul3A_186, %add3A_209 : i32
          %swap3A_211 = arith.index_cast %scan3A_155 : i32 to index
          %swap3A_212 = arith.index_cast %add3A_210 : i32 to index
          %swap3A_213 = tpu.vector_load %arg5[%swap3A_211, %swap3A_212] {strides = array<i32>} : memref<8x2048xf32, #tpu.memory_space<vmem>>, vector<16xf32>,
          tpu.vector_store %arg5[%swap3A_211, %swap3A_212], %exp3A_194 {strides = array<i32>} : memref<8x2048xf32, #tpu.memory_space<vmem>>, vector<16xf32>,
          %add3A_214 = arith.constant 32 : i32
          %add3A_215 = arith.addi %mul3A_186, %add3A_214 : i32
          %swap3A_216 = arith.index_cast %scan3A_155 : i32 to index
          %swap3A_217 = arith.index_cast %add3A_215 : i32 to index
          %swap3A_218 = tpu.vector_load %arg5[%swap3A_216, %swap3A_217] {strides = array<i32>} : memref<8x2048xf32, #tpu.memory_space<vmem>>, vector<16xf32>,
          tpu.vector_store %arg5[%swap3A_216, %swap3A_217], %exp3A_200 {strides = array<i32>} : memref<8x2048xf32, #tpu.memory_space<vmem>>, vector<16xf32>,
          %add3A_219 = arith.constant 48 : i32
          %add3A_220 = arith.addi %mul3A_186, %add3A_219 : i32
          %swap3A_221 = arith.index_cast %scan3A_155 : i32 to index
          %swap3A_222 = arith.index_cast %add3A_220 : i32 to index
          %swap3A_223 = tpu.vector_load %arg5[%swap3A_221, %swap3A_222] {strides = array<i32>} : memref<8x2048xf32, #tpu.memory_space<vmem>>, vector<16xf32>,
          tpu.vector_store %arg5[%swap3A_221, %swap3A_222], %exp3A_206 {strides = array<i32>} : memref<8x2048xf32, #tpu.memory_space<vmem>>, vector<16xf32>,
          %add3A_224 = arith.addf %scan3A_179, %exp3A : vector<16xf32>
          %add3A_225 = arith.addf %scan3A_180, %exp3A_194 : vector<16xf32>
          %add3A_226 = arith.addf %scan3A_181, %exp3A_200 : vector<16xf32>
          %add3A_227 = arith.addf %scan3A_182, %exp3A_206 : vector<16xf32>
          %scan3A_228 = arith.constant 1 : i32
          %scan3A_229 = arith.addi %scan3A_178, %scan3A_228 : i32
          %mul3A_230 = arith.constant 4 : i32
          %mul3A_231 = arith.muli %scan3A_229, %mul3A_230 : i32
          %mul3A_232 = arith.constant 16 : i32
          %mul3A_233 = arith.muli %mul3A_231, %mul3A_232 : i32
          %get3A_234 = arith.index_cast %scan3A_155 : i32 to index
          %get3A_235 = arith.index_cast %mul3A_233 : i32 to index
          %get3A_236 = tpu.vector_load %arg5[%get3A_234, %get3A_235] {strides = array<i32>} : memref<8x2048xf32, #tpu.memory_space<vmem>>, vector<16xf32>,
          %exp3A_237 = math.exp %get3A_236 : vector<16xf32>
          %add3A_238 = arith.constant 16 : i32
          %add3A_239 = arith.addi %mul3A_233, %add3A_238 : i32
          %get3A_240 = arith.index_cast %scan3A_155 : i32 to index
          %get3A_241 = arith.index_cast %add3A_239 : i32 to index
          %get3A_242 = tpu.vector_load %arg5[%get3A_240, %get3A_241] {strides = array<i32>} : memref<8x2048xf32, #tpu.memory_space<vmem>>, vector<16xf32>,
          %exp3A_243 = math.exp %get3A_242 : vector<16xf32>
          %add3A_244 = arith.constant 32 : i32
          %add3A_245 = arith.addi %mul3A_233, %add3A_244 : i32
          %get3A_246 = arith.index_cast %scan3A_155 : i32 to index
          %get3A_247 = arith.index_cast %add3A_245 : i32 to index
          %get3A_248 = tpu.vector_load %arg5[%get3A_246, %get3A_247] {strides = array<i32>} : memref<8x2048xf32, #tpu.memory_space<vmem>>, vector<16xf32>,
          %exp3A_249 = math.exp %get3A_248 : vector<16xf32>
          %add3A_250 = arith.constant 48 : i32
          %add3A_251 = arith.addi %mul3A_233, %add3A_250 : i32
          %get3A_252 = arith.index_cast %scan3A_155 : i32 to index
          %get3A_253 = arith.index_cast %add3A_251 : i32 to index
          %get3A_254 = tpu.vector_load %arg5[%get3A_252, %get3A_253] {strides = array<i32>} : memref<8x2048xf32, #tpu.memory_space<vmem>>, vector<16xf32>,
          %exp3A_255 = math.exp %get3A_254 : vector<16xf32>
          %swap3A_256 = arith.index_cast %scan3A_155 : i32 to index
          %swap3A_257 = arith.index_cast %mul3A_233 : i32 to index
          %swap3A_258 = tpu.vector_load %arg5[%swap3A_256, %swap3A_257] {strides = array<i32>} : memref<8x2048xf32, #tpu.memory_space<vmem>>, vector<16xf32>,
          tpu.vector_store %arg5[%swap3A_256, %swap3A_257], %exp3A_237 {strides = array<i32>} : memref<8x2048xf32, #tpu.memory_space<vmem>>, vector<16xf32>,
          %add3A_259 = arith.constant 16 : i32
          %add3A_260 = arith.addi %mul3A_233, %add3A_259 : i32
          %swap3A_261 = arith.index_cast %scan3A_155 : i32 to index
          %swap3A_262 = arith.index_cast %add3A_260 : i32 to index
          %swap3A_263 = tpu.vector_load %arg5[%swap3A_261, %swap3A_262] {strides = array<i32>} : memref<8x2048xf32, #tpu.memory_space<vmem>>, vector<16xf32>,
          tpu.vector_store %arg5[%swap3A_261, %swap3A_262], %exp3A_243 {strides = array<i32>} : memref<8x2048xf32, #tpu.memory_space<vmem>>, vector<16xf32>,
          %add3A_264 = arith.constant 32 : i32
          %add3A_265 = arith.addi %mul3A_233, %add3A_264 : i32
          %swap3A_266 = arith.index_cast %scan3A_155 : i32 to index
          %swap3A_267 = arith.index_cast %add3A_265 : i32 to index
          %swap3A_268 = tpu.vector_load %arg5[%swap3A_266, %swap3A_267] {strides = array<i32>} : memref<8x2048xf32, #tpu.memory_space<vmem>>, vector<16xf32>,
          tpu.vector_store %arg5[%swap3A_266, %swap3A_267], %exp3A_249 {strides = array<i32>} : memref<8x2048xf32, #tpu.memory_space<vmem>>, vector<16xf32>,
          %add3A_269 = arith.constant 48 : i32
          %add3A_270 = arith.addi %mul3A_233, %add3A_269 : i32
          %swap3A_271 = arith.index_cast %scan3A_155 : i32 to index
          %swap3A_272 = arith.index_cast %add3A_270 : i32 to index
          %swap3A_273 = tpu.vector_load %arg5[%swap3A_271, %swap3A_272] {strides = array<i32>} : memref<8x2048xf32, #tpu.memory_space<vmem>>, vector<16xf32>,
          tpu.vector_store %arg5[%swap3A_271, %swap3A_272], %exp3A_255 {strides = array<i32>} : memref<8x2048xf32, #tpu.memory_space<vmem>>, vector<16xf32>,
          %add3A_274 = arith.addf %add3A_224, %exp3A_237 : vector<16xf32>
          %add3A_275 = arith.addf %add3A_225, %exp3A_243 : vector<16xf32>
          %add3A_276 = arith.addf %add3A_226, %exp3A_249 : vector<16xf32>
          %add3A_277 = arith.addf %add3A_227, %exp3A_255 : vector<16xf32>
          scf.yield %add3A_274, %add3A_275, %add3A_276, %add3A_277 : vector<16xf32>, vector<16xf32>, vector<16xf32>, vector<16xf32>
        }
        %scan3A_162 = arith.constant 32 : i32
        %add3A_163 = arith.addf %scan3A_161#0, %scan3A_161#1 : vector<16xf32>
        %add3A_164 = arith.addf %scan3A_161#2, %scan3A_161#3 : vector<16xf32>
        %add3A_165 = arith.addf %add3A_163, %add3A_164 : vector<16xf32>
        %reduce_sum3A = arith.constant true
        %reduce_sum3A_166 = vector.broadcast %reduce_sum3A : i1 to vector<16xi1>
        %reduce_sum3A_167 = tpu.scan <sum>, %add3A_165 masked %reduce_sum3A_166 : vector<16xf32>, vector<16xi1> -> vector<16xf32>
        %reduce_sum3A_168 = vector.extract %reduce_sum3A_167[15] : f32 from vector<16xf32>
        %broadcast_in_dim3A_169 = vector.broadcast %reduce_sum3A_168 : f32 to vector<16xf32>
        %div3A = arith.constant 1.000000e+00 : f32
        %div3A_170 = vector.broadcast %div3A : f32 to vector<16xf32>
        %div3A_171 = arith.divf %div3A_170, %broadcast_in_dim3A_169 : vector<16xf32>
        %scan3A_172 = arith.constant 0 : i32
        %scan3A_173 = arith.constant 0 : i32
        %scan3A_174 = arith.constant 128 : i32
        %scan3A_175 = arith.addi %scan3A_173, %scan3A_174 : i32
        %scan3A_176 = arith.constant 8 : i32
        scf.for %scan3A_178 = %scan3A_173 to %scan3A_175 step %scan3A_176  : i32 {
          %mul3A_179 = arith.constant 16 : i32
          %mul3A_180 = arith.muli %scan3A_178, %mul3A_179 : i32
          %get3A = arith.index_cast %scan3A_155 : i32 to index
          %get3A_181 = arith.index_cast %mul3A_180 : i32 to index
          %get3A_182 = tpu.vector_load %arg5[%get3A, %get3A_181] {strides = array<i32>} : memref<8x2048xf32, #tpu.memory_space<vmem>>, vector<16xf32>,
          %mul3A_183 = arith.mulf %get3A_182, %div3A_171 : vector<16xf32>
          %swap3A = arith.index_cast %scan3A_155 : i32 to index
          %swap3A_184 = arith.index_cast %mul3A_180 : i32 to index
          %swap3A_185 = tpu.vector_load %arg5[%swap3A, %swap3A_184] {strides = array<i32>} : memref<8x2048xf32, #tpu.memory_space<vmem>>, vector<16xf32>,
          tpu.vector_store %arg5[%swap3A, %swap3A_184], %mul3A_183 {strides = array<i32>} : memref<8x2048xf32, #tpu.memory_space<vmem>>, vector<16xf32>,
          %scan3A_186 = arith.constant 1 : i32
          %scan3A_187 = arith.addi %scan3A_178, %scan3A_186 : i32
          %mul3A_188 = arith.constant 16 : i32
          %mul3A_189 = arith.muli %scan3A_187, %mul3A_188 : i32
          %get3A_190 = arith.index_cast %scan3A_155 : i32 to index
          %get3A_191 = arith.index_cast %mul3A_189 : i32 to index
          %get3A_192 = tpu.vector_load %arg5[%get3A_190, %get3A_191] {strides = array<i32>} : memref<8x2048xf32, #tpu.memory_space<vmem>>, vector<16xf32>,
          %mul3A_193 = arith.mulf %get3A_192, %div3A_171 : vector<16xf32>
          %swap3A_194 = arith.index_cast %scan3A_155 : i32 to index
          %swap3A_195 = arith.index_cast %mul3A_189 : i32 to index
          %swap3A_196 = tpu.vector_load %arg5[%swap3A_194, %swap3A_195] {strides = array<i32>} : memref<8x2048xf32, #tpu.memory_space<vmem>>, vector<16xf32>,
          tpu.vector_store %arg5[%swap3A_194, %swap3A_195], %mul3A_193 {strides = array<i32>} : memref<8x2048xf32, #tpu.memory_space<vmem>>, vector<16xf32>,
          %scan3A_197 = arith.constant 2 : i32
          %scan3A_198 = arith.addi %scan3A_178, %scan3A_197 : i32
          %mul3A_199 = arith.constant 16 : i32
          %mul3A_200 = arith.muli %scan3A_198, %mul3A_199 : i32
          %get3A_201 = arith.index_cast %scan3A_155 : i32 to index
          %get3A_202 = arith.index_cast %mul3A_200 : i32 to index
          %get3A_203 = tpu.vector_load %arg5[%get3A_201, %get3A_202] {strides = array<i32>} : memref<8x2048xf32, #tpu.memory_space<vmem>>, vector<16xf32>,
          %mul3A_204 = arith.mulf %get3A_203, %div3A_171 : vector<16xf32>
          %swap3A_205 = arith.index_cast %scan3A_155 : i32 to index
          %swap3A_206 = arith.index_cast %mul3A_200 : i32 to index
          %swap3A_207 = tpu.vector_load %arg5[%swap3A_205, %swap3A_206] {strides = array<i32>} : memref<8x2048xf32, #tpu.memory_space<vmem>>, vector<16xf32>,
          tpu.vector_store %arg5[%swap3A_205, %swap3A_206], %mul3A_204 {strides = array<i32>} : memref<8x2048xf32, #tpu.memory_space<vmem>>, vector<16xf32>,
          %scan3A_208 = arith.constant 3 : i32
          %scan3A_209 = arith.addi %scan3A_178, %scan3A_208 : i32
          %mul3A_210 = arith.constant 16 : i32
          %mul3A_211 = arith.muli %scan3A_209, %mul3A_210 : i32
          %get3A_212 = arith.index_cast %scan3A_155 : i32 to index
          %get3A_213 = arith.index_cast %mul3A_211 : i32 to index
          %get3A_214 = tpu.vector_load %arg5[%get3A_212, %get3A_213] {strides = array<i32>} : memref<8x2048xf32, #tpu.memory_space<vmem>>, vector<16xf32>,
          %mul3A_215 = arith.mulf %get3A_214, %div3A_171 : vector<16xf32>
          %swap3A_216 = arith.index_cast %scan3A_155 : i32 to index
          %swap3A_217 = arith.index_cast %mul3A_211 : i32 to index
          %swap3A_218 = tpu.vector_load %arg5[%swap3A_216, %swap3A_217] {strides = array<i32>} : memref<8x2048xf32, #tpu.memory_space<vmem>>, vector<16xf32>,
          tpu.vector_store %arg5[%swap3A_216, %swap3A_217], %mul3A_215 {strides = array<i32>} : memref<8x2048xf32, #tpu.memory_space<vmem>>, vector<16xf32>,
          %scan3A_219 = arith.constant 4 : i32
          %scan3A_220 = arith.addi %scan3A_178, %scan3A_219 : i32
          %mul3A_221 = arith.constant 16 : i32
          %mul3A_222 = arith.muli %scan3A_220, %mul3A_221 : i32
          %get3A_223 = arith.index_cast %scan3A_155 : i32 to index
          %get3A_224 = arith.index_cast %mul3A_222 : i32 to index
          %get3A_225 = tpu.vector_load %arg5[%get3A_223, %get3A_224] {strides = array<i32>} : memref<8x2048xf32, #tpu.memory_space<vmem>>, vector<16xf32>,
          %mul3A_226 = arith.mulf %get3A_225, %div3A_171 : vector<16xf32>
          %swap3A_227 = arith.index_cast %scan3A_155 : i32 to index
          %swap3A_228 = arith.index_cast %mul3A_222 : i32 to index
          %swap3A_229 = tpu.vector_load %arg5[%swap3A_227, %swap3A_228] {strides = array<i32>} : memref<8x2048xf32, #tpu.memory_space<vmem>>, vector<16xf32>,
          tpu.vector_store %arg5[%swap3A_227, %swap3A_228], %mul3A_226 {strides = array<i32>} : memref<8x2048xf32, #tpu.memory_space<vmem>>, vector<16xf32>,
          %scan3A_230 = arith.constant 5 : i32
          %scan3A_231 = arith.addi %scan3A_178, %scan3A_230 : i32
          %mul3A_232 = arith.constant 16 : i32
          %mul3A_233 = arith.muli %scan3A_231, %mul3A_232 : i32
          %get3A_234 = arith.index_cast %scan3A_155 : i32 to index
          %get3A_235 = arith.index_cast %mul3A_233 : i32 to index
          %get3A_236 = tpu.vector_load %arg5[%get3A_234, %get3A_235] {strides = array<i32>} : memref<8x2048xf32, #tpu.memory_space<vmem>>, vector<16xf32>,
          %mul3A_237 = arith.mulf %get3A_236, %div3A_171 : vector<16xf32>
          %swap3A_238 = arith.index_cast %scan3A_155 : i32 to index
          %swap3A_239 = arith.index_cast %mul3A_233 : i32 to index
          %swap3A_240 = tpu.vector_load %arg5[%swap3A_238, %swap3A_239] {strides = array<i32>} : memref<8x2048xf32, #tpu.memory_space<vmem>>, vector<16xf32>,
          tpu.vector_store %arg5[%swap3A_238, %swap3A_239], %mul3A_237 {strides = array<i32>} : memref<8x2048xf32, #tpu.memory_space<vmem>>, vector<16xf32>,
          %scan3A_241 = arith.constant 6 : i32
          %scan3A_242 = arith.addi %scan3A_178, %scan3A_241 : i32
          %mul3A_243 = arith.constant 16 : i32
          %mul3A_244 = arith.muli %scan3A_242, %mul3A_243 : i32
          %get3A_245 = arith.index_cast %scan3A_155 : i32 to index
          %get3A_246 = arith.index_cast %mul3A_244 : i32 to index
          %get3A_247 = tpu.vector_load %arg5[%get3A_245, %get3A_246] {strides = array<i32>} : memref<8x2048xf32, #tpu.memory_space<vmem>>, vector<16xf32>,
          %mul3A_248 = arith.mulf %get3A_247, %div3A_171 : vector<16xf32>
          %swap3A_249 = arith.index_cast %scan3A_155 : i32 to index
          %swap3A_250 = arith.index_cast %mul3A_244 : i32 to index
          %swap3A_251 = tpu.vector_load %arg5[%swap3A_249, %swap3A_250] {strides = array<i32>} : memref<8x2048xf32, #tpu.memory_space<vmem>>, vector<16xf32>,
          tpu.vector_store %arg5[%swap3A_249, %swap3A_250], %mul3A_248 {strides = array<i32>} : memref<8x2048xf32, #tpu.memory_space<vmem>>, vector<16xf32>,
          %scan3A_252 = arith.constant 7 : i32
          %scan3A_253 = arith.addi %scan3A_178, %scan3A_252 : i32
          %mul3A_254 = arith.constant 16 : i32
          %mul3A_255 = arith.muli %scan3A_253, %mul3A_254 : i32
          %get3A_256 = arith.index_cast %scan3A_155 : i32 to index
          %get3A_257 = arith.index_cast %mul3A_255 : i32 to index
          %get3A_258 = tpu.vector_load %arg5[%get3A_256, %get3A_257] {strides = array<i32>} : memref<8x2048xf32, #tpu.memory_space<vmem>>, vector<16xf32>,
          %mul3A_259 = arith.mulf %get3A_258, %div3A_171 : vector<16xf32>
          %swap3A_260 = arith.index_cast %scan3A_155 : i32 to index
          %swap3A_261 = arith.index_cast %mul3A_255 : i32 to index
          %swap3A_262 = tpu.vector_load %arg5[%swap3A_260, %swap3A_261] {strides = array<i32>} : memref<8x2048xf32, #tpu.memory_space<vmem>>, vector<16xf32>,
          tpu.vector_store %arg5[%swap3A_260, %swap3A_261], %mul3A_259 {strides = array<i32>} : memref<8x2048xf32, #tpu.memory_space<vmem>>, vector<16xf32>,
        }
        %scan3A_177 = arith.constant 128 : i32
      }
      %scan3A_69 = arith.constant 8 : i32
      %mul3A_70 = arith.constant 8 : i32
      %mul3A_71 = arith.muli %add3A_59, %mul3A_70 : i32
      %add3A_72 = arith.addi %mul3A_2, %mul3A_71 : i32
      %dma_start3A_73 = arith.constant 0 : i32
      %dma_start3A_74 = tpu.memref_slice %arg3[%add3A_72, %dma_start3A_73] : memref<32768x2048xf32, #tpu.memory_space<hbm>> -> memref<8x2048xf32, #tpu.memory_space<hbm>>
      %dma_start3A_75 = arith.constant 0 : i32
      %dma_start3A_76 = tpu.memref_slice %arg3[%add3A_72, %dma_start3A_75] : memref<32768x2048xf32, #tpu.memory_space<hbm>> -> memref<8x2048xf32, #tpu.memory_space<hbm>>
      tpu.enqueue_dma source(%arg5 : memref<8x2048xf32, #tpu.memory_space<vmem>>) target(%dma_start3A_76 : memref<8x2048xf32, #tpu.memory_space<hbm>>) target_semaphore(%arg13 : memref<!tpu.dma_semaphore, #tpu.memory_space<semaphore_mem>>)
      %ge3A_77 = arith.constant 2 : i32
      %ge3A_78 = arith.cmpi sge, %add3A_59, %ge3A_77 : i32
      %convert_element_type3A_79 = arith.extui %ge3A_78 : i1 to i32
      %cond3A_80 = arith.constant 0 : i32
      %cond3A_81 = arith.cmpi ne, %convert_element_type3A_79, %cond3A_80 : i32
      scf.if %cond3A_81 {
        %dma_wait3A_155 = arith.constant 0 : i32
        %dma_wait3A_156 = tpu.memref_slice %arg3[%mul3A_2, %dma_wait3A_155] : memref<32768x2048xf32, #tpu.memory_space<hbm>> -> memref<8x2048xf32, #tpu.memory_space<hbm>>
        %dma_wait3A_157 = arith.constant 0 : i32
        %dma_wait3A_158 = tpu.memref_slice %arg3[%mul3A_2, %dma_wait3A_157] : memref<32768x2048xf32, #tpu.memory_space<hbm>> -> memref<8x2048xf32, #tpu.memory_space<hbm>>
        tpu.wait_dma2 semaphore(%arg15 : memref<!tpu.dma_semaphore, #tpu.memory_space<semaphore_mem>>) src(%arg7 : memref<8x2048xf32, #tpu.memory_space<vmem>>) dst(%dma_wait3A_158 : memref<8x2048xf32, #tpu.memory_space<hbm>>)
      } else {
      }
      %add3A_82 = arith.constant 2 : i32
      %add3A_83 = arith.addi %add3A_59, %add3A_82 : i32
      %lt3A_84 = arith.constant 128 : i32
      %lt3A_85 = arith.cmpi slt, %add3A_83, %lt3A_84 : i32
      %convert_element_type3A_86 = arith.extui %lt3A_85 : i1 to i32
      %cond3A_87 = arith.constant 0 : i32
      %cond3A_88 = arith.cmpi ne, %convert_element_type3A_86, %cond3A_87 : i32
      scf.if %cond3A_88 {
        %add3A_155 = arith.constant 2 : i32
        %add3A_156 = arith.addi %add3A_59, %add3A_155 : i32
        %mul3A_157 = arith.constant 8 : i32
        %mul3A_158 = arith.muli %add3A_156, %mul3A_157 : i32
        %add3A_159 = arith.addi %mul3A_2, %mul3A_158 : i32
        %dma_start3A_160 = arith.constant 0 : i32
        %dma_start3A_161 = tpu.memref_slice %arg2[%add3A_159, %dma_start3A_160] : memref<32768x2048xf32, #tpu.memory_space<hbm>> -> memref<8x2048xf32, #tpu.memory_space<hbm>>
        %dma_start3A_162 = arith.constant 0 : i32
        %dma_start3A_163 = tpu.memref_slice %arg2[%add3A_159, %dma_start3A_162] : memref<32768x2048xf32, #tpu.memory_space<hbm>> -> memref<8x2048xf32, #tpu.memory_space<hbm>>
        tpu.enqueue_dma source(%dma_start3A_163 : memref<8x2048xf32, #tpu.memory_space<hbm>>) target(%arg7 : memref<8x2048xf32, #tpu.memory_space<vmem>>) target_semaphore(%arg11 : memref<!tpu.dma_semaphore, #tpu.memory_space<semaphore_mem>>)
      } else {
      }
      %mul3A_89 = arith.constant 4 : i32
      %mul3A_90 = arith.muli %scan3A_26, %mul3A_89 : i32
      %add3A_91 = arith.constant 2 : i32
      %add3A_92 = arith.addi %mul3A_90, %add3A_91 : i32
      %dma_wait3A_93 = arith.constant 0 : i32
      %dma_wait3A_94 = tpu.memref_slice %arg2[%mul3A_2, %dma_wait3A_93] : memref<32768x2048xf32, #tpu.memory_space<hbm>> -> memref<8x2048xf32, #tpu.memory_space<hbm>>
      %dma_wait3A_95 = arith.constant 0 : i32
      %dma_wait3A_96 = tpu.memref_slice %arg2[%mul3A_2, %dma_wait3A_95] : memref<32768x2048xf32, #tpu.memory_space<hbm>> -> memref<8x2048xf32, #tpu.memory_space<hbm>>
      tpu.wait_dma2 semaphore(%arg10 : memref<!tpu.dma_semaphore, #tpu.memory_space<semaphore_mem>>) src(%dma_wait3A_96 : memref<8x2048xf32, #tpu.memory_space<hbm>>) dst(%arg6 : memref<8x2048xf32, #tpu.memory_space<vmem>>)
      %scan3A_97 = arith.constant 0 : i32
      %scan3A_98 = arith.constant 0 : i32
      %scan3A_99 = arith.constant 8 : i32
      %scan3A_100 = arith.addi %scan3A_98, %scan3A_99 : i32
      %scan3A_101 = arith.constant 1 : i32
      scf.for %scan3A_155 = %scan3A_98 to %scan3A_100 step %scan3A_101  : i32 {
        %broadcast_in_dim3A = arith.constant 0.000000e+00 : f32
        %broadcast_in_dim3A_156 = vector.broadcast %broadcast_in_dim3A : f32 to vector<16xf32>
        %scan3A_157 = arith.constant 0 : i32
        %scan3A_158 = arith.constant 32 : i32
        %scan3A_159 = arith.addi %scan3A_157, %scan3A_158 : i32
        %scan3A_160 = arith.constant 2 : i32
        %scan3A_161:4 = scf.for %scan3A_178 = %scan3A_157 to %scan3A_159 step %scan3A_160 iter_args(%scan3A_179 = %broadcast_in_dim3A_156, %scan3A_180 = %broadcast_in_dim3A_156, %scan3A_181 = %broadcast_in_dim3A_156, %scan3A_182 = %broadcast_in_dim3A_156) -> (vector<16xf32>, vector<16xf32>, vector<16xf32>, vector<16xf32>)  : i32 {
          %mul3A_183 = arith.constant 4 : i32
          %mul3A_184 = arith.muli %scan3A_178, %mul3A_183 : i32
          %mul3A_185 = arith.constant 16 : i32
          %mul3A_186 = arith.muli %mul3A_184, %mul3A_185 : i32
          %get3A = arith.index_cast %scan3A_155 : i32 to index
          %get3A_187 = arith.index_cast %mul3A_186 : i32 to index
          %get3A_188 = tpu.vector_load %arg6[%get3A, %get3A_187] {strides = array<i32>} : memref<8x2048xf32, #tpu.memory_space<vmem>>, vector<16xf32>,
          %exp3A = math.exp %get3A_188 : vector<16xf32>
          %add3A_189 = arith.constant 16 : i32
          %add3A_190 = arith.addi %mul3A_186, %add3A_189 : i32
          %get3A_191 = arith.index_cast %scan3A_155 : i32 to index
          %get3A_192 = arith.index_cast %add3A_190 : i32 to index
          %get3A_193 = tpu.vector_load %arg6[%get3A_191, %get3A_192] {strides = array<i32>} : memref<8x2048xf32, #tpu.memory_space<vmem>>, vector<16xf32>,
          %exp3A_194 = math.exp %get3A_193 : vector<16xf32>
          %add3A_195 = arith.constant 32 : i32
          %add3A_196 = arith.addi %mul3A_186, %add3A_195 : i32
          %get3A_197 = arith.index_cast %scan3A_155 : i32 to index
          %get3A_198 = arith.index_cast %add3A_196 : i32 to index
          %get3A_199 = tpu.vector_load %arg6[%get3A_197, %get3A_198] {strides = array<i32>} : memref<8x2048xf32, #tpu.memory_space<vmem>>, vector<16xf32>,
          %exp3A_200 = math.exp %get3A_199 : vector<16xf32>
          %add3A_201 = arith.constant 48 : i32
          %add3A_202 = arith.addi %mul3A_186, %add3A_201 : i32
          %get3A_203 = arith.index_cast %scan3A_155 : i32 to index
          %get3A_204 = arith.index_cast %add3A_202 : i32 to index
          %get3A_205 = tpu.vector_load %arg6[%get3A_203, %get3A_204] {strides = array<i32>} : memref<8x2048xf32, #tpu.memory_space<vmem>>, vector<16xf32>,
          %exp3A_206 = math.exp %get3A_205 : vector<16xf32>
          %swap3A = arith.index_cast %scan3A_155 : i32 to index
          %swap3A_207 = arith.index_cast %mul3A_186 : i32 to index
          %swap3A_208 = tpu.vector_load %arg6[%swap3A, %swap3A_207] {strides = array<i32>} : memref<8x2048xf32, #tpu.memory_space<vmem>>, vector<16xf32>,
          tpu.vector_store %arg6[%swap3A, %swap3A_207], %exp3A {strides = array<i32>} : memref<8x2048xf32, #tpu.memory_space<vmem>>, vector<16xf32>,
          %add3A_209 = arith.constant 16 : i32
          %add3A_210 = arith.addi %mul3A_186, %add3A_209 : i32
          %swap3A_211 = arith.index_cast %scan3A_155 : i32 to index
          %swap3A_212 = arith.index_cast %add3A_210 : i32 to index
          %swap3A_213 = tpu.vector_load %arg6[%swap3A_211, %swap3A_212] {strides = array<i32>} : memref<8x2048xf32, #tpu.memory_space<vmem>>, vector<16xf32>,
          tpu.vector_store %arg6[%swap3A_211, %swap3A_212], %exp3A_194 {strides = array<i32>} : memref<8x2048xf32, #tpu.memory_space<vmem>>, vector<16xf32>,
          %add3A_214 = arith.constant 32 : i32
          %add3A_215 = arith.addi %mul3A_186, %add3A_214 : i32
          %swap3A_216 = arith.index_cast %scan3A_155 : i32 to index
          %swap3A_217 = arith.index_cast %add3A_215 : i32 to index
          %swap3A_218 = tpu.vector_load %arg6[%swap3A_216, %swap3A_217] {strides = array<i32>} : memref<8x2048xf32, #tpu.memory_space<vmem>>, vector<16xf32>,
          tpu.vector_store %arg6[%swap3A_216, %swap3A_217], %exp3A_200 {strides = array<i32>} : memref<8x2048xf32, #tpu.memory_space<vmem>>, vector<16xf32>,
          %add3A_219 = arith.constant 48 : i32
          %add3A_220 = arith.addi %mul3A_186, %add3A_219 : i32
          %swap3A_221 = arith.index_cast %scan3A_155 : i32 to index
          %swap3A_222 = arith.index_cast %add3A_220 : i32 to index
          %swap3A_223 = tpu.vector_load %arg6[%swap3A_221, %swap3A_222] {strides = array<i32>} : memref<8x2048xf32, #tpu.memory_space<vmem>>, vector<16xf32>,
          tpu.vector_store %arg6[%swap3A_221, %swap3A_222], %exp3A_206 {strides = array<i32>} : memref<8x2048xf32, #tpu.memory_space<vmem>>, vector<16xf32>,
          %add3A_224 = arith.addf %scan3A_179, %exp3A : vector<16xf32>
          %add3A_225 = arith.addf %scan3A_180, %exp3A_194 : vector<16xf32>
          %add3A_226 = arith.addf %scan3A_181, %exp3A_200 : vector<16xf32>
          %add3A_227 = arith.addf %scan3A_182, %exp3A_206 : vector<16xf32>
          %scan3A_228 = arith.constant 1 : i32
          %scan3A_229 = arith.addi %scan3A_178, %scan3A_228 : i32
          %mul3A_230 = arith.constant 4 : i32
          %mul3A_231 = arith.muli %scan3A_229, %mul3A_230 : i32
          %mul3A_232 = arith.constant 16 : i32
          %mul3A_233 = arith.muli %mul3A_231, %mul3A_232 : i32
          %get3A_234 = arith.index_cast %scan3A_155 : i32 to index
          %get3A_235 = arith.index_cast %mul3A_233 : i32 to index
          %get3A_236 = tpu.vector_load %arg6[%get3A_234, %get3A_235] {strides = array<i32>} : memref<8x2048xf32, #tpu.memory_space<vmem>>, vector<16xf32>,
          %exp3A_237 = math.exp %get3A_236 : vector<16xf32>
          %add3A_238 = arith.constant 16 : i32
          %add3A_239 = arith.addi %mul3A_233, %add3A_238 : i32
          %get3A_240 = arith.index_cast %scan3A_155 : i32 to index
          %get3A_241 = arith.index_cast %add3A_239 : i32 to index
          %get3A_242 = tpu.vector_load %arg6[%get3A_240, %get3A_241] {strides = array<i32>} : memref<8x2048xf32, #tpu.memory_space<vmem>>, vector<16xf32>,
          %exp3A_243 = math.exp %get3A_242 : vector<16xf32>
          %add3A_244 = arith.constant 32 : i32
          %add3A_245 = arith.addi %mul3A_233, %add3A_244 : i32
          %get3A_246 = arith.index_cast %scan3A_155 : i32 to index
          %get3A_247 = arith.index_cast %add3A_245 : i32 to index
          %get3A_248 = tpu.vector_load %arg6[%get3A_246, %get3A_247] {strides = array<i32>} : memref<8x2048xf32, #tpu.memory_space<vmem>>, vector<16xf32>,
          %exp3A_249 = math.exp %get3A_248 : vector<16xf32>
          %add3A_250 = arith.constant 48 : i32
          %add3A_251 = arith.addi %mul3A_233, %add3A_250 : i32
          %get3A_252 = arith.index_cast %scan3A_155 : i32 to index
          %get3A_253 = arith.index_cast %add3A_251 : i32 to index
          %get3A_254 = tpu.vector_load %arg6[%get3A_252, %get3A_253] {strides = array<i32>} : memref<8x2048xf32, #tpu.memory_space<vmem>>, vector<16xf32>,
          %exp3A_255 = math.exp %get3A_254 : vector<16xf32>
          %swap3A_256 = arith.index_cast %scan3A_155 : i32 to index
          %swap3A_257 = arith.index_cast %mul3A_233 : i32 to index
          %swap3A_258 = tpu.vector_load %arg6[%swap3A_256, %swap3A_257] {strides = array<i32>} : memref<8x2048xf32, #tpu.memory_space<vmem>>, vector<16xf32>,
          tpu.vector_store %arg6[%swap3A_256, %swap3A_257], %exp3A_237 {strides = array<i32>} : memref<8x2048xf32, #tpu.memory_space<vmem>>, vector<16xf32>,
          %add3A_259 = arith.constant 16 : i32
          %add3A_260 = arith.addi %mul3A_233, %add3A_259 : i32
          %swap3A_261 = arith.index_cast %scan3A_155 : i32 to index
          %swap3A_262 = arith.index_cast %add3A_260 : i32 to index
          %swap3A_263 = tpu.vector_load %arg6[%swap3A_261, %swap3A_262] {strides = array<i32>} : memref<8x2048xf32, #tpu.memory_space<vmem>>, vector<16xf32>,
          tpu.vector_store %arg6[%swap3A_261, %swap3A_262], %exp3A_243 {strides = array<i32>} : memref<8x2048xf32, #tpu.memory_space<vmem>>, vector<16xf32>,
          %add3A_264 = arith.constant 32 : i32
          %add3A_265 = arith.addi %mul3A_233, %add3A_264 : i32
          %swap3A_266 = arith.index_cast %scan3A_155 : i32 to index
          %swap3A_267 = arith.index_cast %add3A_265 : i32 to index
          %swap3A_268 = tpu.vector_load %arg6[%swap3A_266, %swap3A_267] {strides = array<i32>} : memref<8x2048xf32, #tpu.memory_space<vmem>>, vector<16xf32>,
          tpu.vector_store %arg6[%swap3A_266, %swap3A_267], %exp3A_249 {strides = array<i32>} : memref<8x2048xf32, #tpu.memory_space<vmem>>, vector<16xf32>,
          %add3A_269 = arith.constant 48 : i32
          %add3A_270 = arith.addi %mul3A_233, %add3A_269 : i32
          %swap3A_271 = arith.index_cast %scan3A_155 : i32 to index
          %swap3A_272 = arith.index_cast %add3A_270 : i32 to index
          %swap3A_273 = tpu.vector_load %arg6[%swap3A_271, %swap3A_272] {strides = array<i32>} : memref<8x2048xf32, #tpu.memory_space<vmem>>, vector<16xf32>,
          tpu.vector_store %arg6[%swap3A_271, %swap3A_272], %exp3A_255 {strides = array<i32>} : memref<8x2048xf32, #tpu.memory_space<vmem>>, vector<16xf32>,
          %add3A_274 = arith.addf %add3A_224, %exp3A_237 : vector<16xf32>
          %add3A_275 = arith.addf %add3A_225, %exp3A_243 : vector<16xf32>
          %add3A_276 = arith.addf %add3A_226, %exp3A_249 : vector<16xf32>
          %add3A_277 = arith.addf %add3A_227, %exp3A_255 : vector<16xf32>
          scf.yield %add3A_274, %add3A_275, %add3A_276, %add3A_277 : vector<16xf32>, vector<16xf32>, vector<16xf32>, vector<16xf32>
        }
        %scan3A_162 = arith.constant 32 : i32
        %add3A_163 = arith.addf %scan3A_161#0, %scan3A_161#1 : vector<16xf32>
        %add3A_164 = arith.addf %scan3A_161#2, %scan3A_161#3 : vector<16xf32>
        %add3A_165 = arith.addf %add3A_163, %add3A_164 : vector<16xf32>
        %reduce_sum3A = arith.constant true
        %reduce_sum3A_166 = vector.broadcast %reduce_sum3A : i1 to vector<16xi1>
        %reduce_sum3A_167 = tpu.scan <sum>, %add3A_165 masked %reduce_sum3A_166 : vector<16xf32>, vector<16xi1> -> vector<16xf32>
        %reduce_sum3A_168 = vector.extract %reduce_sum3A_167[15] : f32 from vector<16xf32>
        %broadcast_in_dim3A_169 = vector.broadcast %reduce_sum3A_168 : f32 to vector<16xf32>
        %div3A = arith.constant 1.000000e+00 : f32
        %div3A_170 = vector.broadcast %div3A : f32 to vector<16xf32>
        %div3A_171 = arith.divf %div3A_170, %broadcast_in_dim3A_169 : vector<16xf32>
        %scan3A_172 = arith.constant 0 : i32
        %scan3A_173 = arith.constant 0 : i32
        %scan3A_174 = arith.constant 128 : i32
        %scan3A_175 = arith.addi %scan3A_173, %scan3A_174 : i32
        %scan3A_176 = arith.constant 8 : i32
        scf.for %scan3A_178 = %scan3A_173 to %scan3A_175 step %scan3A_176  : i32 {
          %mul3A_179 = arith.constant 16 : i32
          %mul3A_180 = arith.muli %scan3A_178, %mul3A_179 : i32
          %get3A = arith.index_cast %scan3A_155 : i32 to index
          %get3A_181 = arith.index_cast %mul3A_180 : i32 to index
          %get3A_182 = tpu.vector_load %arg6[%get3A, %get3A_181] {strides = array<i32>} : memref<8x2048xf32, #tpu.memory_space<vmem>>, vector<16xf32>,
          %mul3A_183 = arith.mulf %get3A_182, %div3A_171 : vector<16xf32>
          %swap3A = arith.index_cast %scan3A_155 : i32 to index
          %swap3A_184 = arith.index_cast %mul3A_180 : i32 to index
          %swap3A_185 = tpu.vector_load %arg6[%swap3A, %swap3A_184] {strides = array<i32>} : memref<8x2048xf32, #tpu.memory_space<vmem>>, vector<16xf32>,
          tpu.vector_store %arg6[%swap3A, %swap3A_184], %mul3A_183 {strides = array<i32>} : memref<8x2048xf32, #tpu.memory_space<vmem>>, vector<16xf32>,
          %scan3A_186 = arith.constant 1 : i32
          %scan3A_187 = arith.addi %scan3A_178, %scan3A_186 : i32
          %mul3A_188 = arith.constant 16 : i32
          %mul3A_189 = arith.muli %scan3A_187, %mul3A_188 : i32
          %get3A_190 = arith.index_cast %scan3A_155 : i32 to index
          %get3A_191 = arith.index_cast %mul3A_189 : i32 to index
          %get3A_192 = tpu.vector_load %arg6[%get3A_190, %get3A_191] {strides = array<i32>} : memref<8x2048xf32, #tpu.memory_space<vmem>>, vector<16xf32>,
          %mul3A_193 = arith.mulf %get3A_192, %div3A_171 : vector<16xf32>
          %swap3A_194 = arith.index_cast %scan3A_155 : i32 to index
          %swap3A_195 = arith.index_cast %mul3A_189 : i32 to index
          %swap3A_196 = tpu.vector_load %arg6[%swap3A_194, %swap3A_195] {strides = array<i32>} : memref<8x2048xf32, #tpu.memory_space<vmem>>, vector<16xf32>,
          tpu.vector_store %arg6[%swap3A_194, %swap3A_195], %mul3A_193 {strides = array<i32>} : memref<8x2048xf32, #tpu.memory_space<vmem>>, vector<16xf32>,
          %scan3A_197 = arith.constant 2 : i32
          %scan3A_198 = arith.addi %scan3A_178, %scan3A_197 : i32
          %mul3A_199 = arith.constant 16 : i32
          %mul3A_200 = arith.muli %scan3A_198, %mul3A_199 : i32
          %get3A_201 = arith.index_cast %scan3A_155 : i32 to index
          %get3A_202 = arith.index_cast %mul3A_200 : i32 to index
          %get3A_203 = tpu.vector_load %arg6[%get3A_201, %get3A_202] {strides = array<i32>} : memref<8x2048xf32, #tpu.memory_space<vmem>>, vector<16xf32>,
          %mul3A_204 = arith.mulf %get3A_203, %div3A_171 : vector<16xf32>
          %swap3A_205 = arith.index_cast %scan3A_155 : i32 to index
          %swap3A_206 = arith.index_cast %mul3A_200 : i32 to index
          %swap3A_207 = tpu.vector_load %arg6[%swap3A_205, %swap3A_206] {strides = array<i32>} : memref<8x2048xf32, #tpu.memory_space<vmem>>, vector<16xf32>,
          tpu.vector_store %arg6[%swap3A_205, %swap3A_206], %mul3A_204 {strides = array<i32>} : memref<8x2048xf32, #tpu.memory_space<vmem>>, vector<16xf32>,
          %scan3A_208 = arith.constant 3 : i32
          %scan3A_209 = arith.addi %scan3A_178, %scan3A_208 : i32
          %mul3A_210 = arith.constant 16 : i32
          %mul3A_211 = arith.muli %scan3A_209, %mul3A_210 : i32
          %get3A_212 = arith.index_cast %scan3A_155 : i32 to index
          %get3A_213 = arith.index_cast %mul3A_211 : i32 to index
          %get3A_214 = tpu.vector_load %arg6[%get3A_212, %get3A_213] {strides = array<i32>} : memref<8x2048xf32, #tpu.memory_space<vmem>>, vector<16xf32>,
          %mul3A_215 = arith.mulf %get3A_214, %div3A_171 : vector<16xf32>
          %swap3A_216 = arith.index_cast %scan3A_155 : i32 to index
          %swap3A_217 = arith.index_cast %mul3A_211 : i32 to index
          %swap3A_218 = tpu.vector_load %arg6[%swap3A_216, %swap3A_217] {strides = array<i32>} : memref<8x2048xf32, #tpu.memory_space<vmem>>, vector<16xf32>,
          tpu.vector_store %arg6[%swap3A_216, %swap3A_217], %mul3A_215 {strides = array<i32>} : memref<8x2048xf32, #tpu.memory_space<vmem>>, vector<16xf32>,
          %scan3A_219 = arith.constant 4 : i32
          %scan3A_220 = arith.addi %scan3A_178, %scan3A_219 : i32
          %mul3A_221 = arith.constant 16 : i32
          %mul3A_222 = arith.muli %scan3A_220, %mul3A_221 : i32
          %get3A_223 = arith.index_cast %scan3A_155 : i32 to index
          %get3A_224 = arith.index_cast %mul3A_222 : i32 to index
          %get3A_225 = tpu.vector_load %arg6[%get3A_223, %get3A_224] {strides = array<i32>} : memref<8x2048xf32, #tpu.memory_space<vmem>>, vector<16xf32>,
          %mul3A_226 = arith.mulf %get3A_225, %div3A_171 : vector<16xf32>
          %swap3A_227 = arith.index_cast %scan3A_155 : i32 to index
          %swap3A_228 = arith.index_cast %mul3A_222 : i32 to index
          %swap3A_229 = tpu.vector_load %arg6[%swap3A_227, %swap3A_228] {strides = array<i32>} : memref<8x2048xf32, #tpu.memory_space<vmem>>, vector<16xf32>,
          tpu.vector_store %arg6[%swap3A_227, %swap3A_228], %mul3A_226 {strides = array<i32>} : memref<8x2048xf32, #tpu.memory_space<vmem>>, vector<16xf32>,
          %scan3A_230 = arith.constant 5 : i32
          %scan3A_231 = arith.addi %scan3A_178, %scan3A_230 : i32
          %mul3A_232 = arith.constant 16 : i32
          %mul3A_233 = arith.muli %scan3A_231, %mul3A_232 : i32
          %get3A_234 = arith.index_cast %scan3A_155 : i32 to index
          %get3A_235 = arith.index_cast %mul3A_233 : i32 to index
          %get3A_236 = tpu.vector_load %arg6[%get3A_234, %get3A_235] {strides = array<i32>} : memref<8x2048xf32, #tpu.memory_space<vmem>>, vector<16xf32>,
          %mul3A_237 = arith.mulf %get3A_236, %div3A_171 : vector<16xf32>
          %swap3A_238 = arith.index_cast %scan3A_155 : i32 to index
          %swap3A_239 = arith.index_cast %mul3A_233 : i32 to index
          %swap3A_240 = tpu.vector_load %arg6[%swap3A_238, %swap3A_239] {strides = array<i32>} : memref<8x2048xf32, #tpu.memory_space<vmem>>, vector<16xf32>,
          tpu.vector_store %arg6[%swap3A_238, %swap3A_239], %mul3A_237 {strides = array<i32>} : memref<8x2048xf32, #tpu.memory_space<vmem>>, vector<16xf32>,
          %scan3A_241 = arith.constant 6 : i32
          %scan3A_242 = arith.addi %scan3A_178, %scan3A_241 : i32
          %mul3A_243 = arith.constant 16 : i32
          %mul3A_244 = arith.muli %scan3A_242, %mul3A_243 : i32
          %get3A_245 = arith.index_cast %scan3A_155 : i32 to index
          %get3A_246 = arith.index_cast %mul3A_244 : i32 to index
          %get3A_247 = tpu.vector_load %arg6[%get3A_245, %get3A_246] {strides = array<i32>} : memref<8x2048xf32, #tpu.memory_space<vmem>>, vector<16xf32>,
          %mul3A_248 = arith.mulf %get3A_247, %div3A_171 : vector<16xf32>
          %swap3A_249 = arith.index_cast %scan3A_155 : i32 to index
          %swap3A_250 = arith.index_cast %mul3A_244 : i32 to index
          %swap3A_251 = tpu.vector_load %arg6[%swap3A_249, %swap3A_250] {strides = array<i32>} : memref<8x2048xf32, #tpu.memory_space<vmem>>, vector<16xf32>,
          tpu.vector_store %arg6[%swap3A_249, %swap3A_250], %mul3A_248 {strides = array<i32>} : memref<8x2048xf32, #tpu.memory_space<vmem>>, vector<16xf32>,
          %scan3A_252 = arith.constant 7 : i32
          %scan3A_253 = arith.addi %scan3A_178, %scan3A_252 : i32
          %mul3A_254 = arith.constant 16 : i32
          %mul3A_255 = arith.muli %scan3A_253, %mul3A_254 : i32
          %get3A_256 = arith.index_cast %scan3A_155 : i32 to index
          %get3A_257 = arith.index_cast %mul3A_255 : i32 to index
          %get3A_258 = tpu.vector_load %arg6[%get3A_256, %get3A_257] {strides = array<i32>} : memref<8x2048xf32, #tpu.memory_space<vmem>>, vector<16xf32>,
          %mul3A_259 = arith.mulf %get3A_258, %div3A_171 : vector<16xf32>
          %swap3A_260 = arith.index_cast %scan3A_155 : i32 to index
          %swap3A_261 = arith.index_cast %mul3A_255 : i32 to index
          %swap3A_262 = tpu.vector_load %arg6[%swap3A_260, %swap3A_261] {strides = array<i32>} : memref<8x2048xf32, #tpu.memory_space<vmem>>, vector<16xf32>,
          tpu.vector_store %arg6[%swap3A_260, %swap3A_261], %mul3A_259 {strides = array<i32>} : memref<8x2048xf32, #tpu.memory_space<vmem>>, vector<16xf32>,
        }
        %scan3A_177 = arith.constant 128 : i32
      }
      %scan3A_102 = arith.constant 8 : i32
      %mul3A_103 = arith.constant 8 : i32
      %mul3A_104 = arith.muli %add3A_92, %mul3A_103 : i32
      %add3A_105 = arith.addi %mul3A_2, %mul3A_104 : i32
      %dma_start3A_106 = arith.constant 0 : i32
      %dma_start3A_107 = tpu.memref_slice %arg3[%add3A_105, %dma_start3A_106] : memref<32768x2048xf32, #tpu.memory_space<hbm>> -> memref<8x2048xf32, #tpu.memory_space<hbm>>
      %dma_start3A_108 = arith.constant 0 : i32
      %dma_start3A_109 = tpu.memref_slice %arg3[%add3A_105, %dma_start3A_108] : memref<32768x2048xf32, #tpu.memory_space<hbm>> -> memref<8x2048xf32, #tpu.memory_space<hbm>>
      tpu.enqueue_dma source(%arg6 : memref<8x2048xf32, #tpu.memory_space<vmem>>) target(%dma_start3A_109 : memref<8x2048xf32, #tpu.memory_space<hbm>>) target_semaphore(%arg14 : memref<!tpu.dma_semaphore, #tpu.memory_space<semaphore_mem>>)
      %ge3A_110 = arith.constant 2 : i32
      %ge3A_111 = arith.cmpi sge, %add3A_92, %ge3A_110 : i32
      %convert_element_type3A_112 = arith.extui %ge3A_111 : i1 to i32
      %cond3A_113 = arith.constant 0 : i32
      %cond3A_114 = arith.cmpi ne, %convert_element_type3A_112, %cond3A_113 : i32
      scf.if %cond3A_114 {
        %dma_wait3A_155 = arith.constant 0 : i32
        %dma_wait3A_156 = tpu.memref_slice %arg3[%mul3A_2, %dma_wait3A_155] : memref<32768x2048xf32, #tpu.memory_space<hbm>> -> memref<8x2048xf32, #tpu.memory_space<hbm>>
        %dma_wait3A_157 = arith.constant 0 : i32
        %dma_wait3A_158 = tpu.memref_slice %arg3[%mul3A_2, %dma_wait3A_157] : memref<32768x2048xf32, #tpu.memory_space<hbm>> -> memref<8x2048xf32, #tpu.memory_space<hbm>>
        tpu.wait_dma2 semaphore(%arg12 : memref<!tpu.dma_semaphore, #tpu.memory_space<semaphore_mem>>) src(%arg4 : memref<8x2048xf32, #tpu.memory_space<vmem>>) dst(%dma_wait3A_158 : memref<8x2048xf32, #tpu.memory_space<hbm>>)
      } else {
      }
      %add3A_115 = arith.constant 2 : i32
      %add3A_116 = arith.addi %add3A_92, %add3A_115 : i32
      %lt3A_117 = arith.constant 128 : i32
      %lt3A_118 = arith.cmpi slt, %add3A_116, %lt3A_117 : i32
      %convert_element_type3A_119 = arith.extui %lt3A_118 : i1 to i32
      %cond3A_120 = arith.constant 0 : i32
      %cond3A_121 = arith.cmpi ne, %convert_element_type3A_119, %cond3A_120 : i32
      scf.if %cond3A_121 {
        %add3A_155 = arith.constant 2 : i32
        %add3A_156 = arith.addi %add3A_92, %add3A_155 : i32
        %mul3A_157 = arith.constant 8 : i32
        %mul3A_158 = arith.muli %add3A_156, %mul3A_157 : i32
        %add3A_159 = arith.addi %mul3A_2, %mul3A_158 : i32
        %dma_start3A_160 = arith.constant 0 : i32
        %dma_start3A_161 = tpu.memref_slice %arg2[%add3A_159, %dma_start3A_160] : memref<32768x2048xf32, #tpu.memory_space<hbm>> -> memref<8x2048xf32, #tpu.memory_space<hbm>>
        %dma_start3A_162 = arith.constant 0 : i32
        %dma_start3A_163 = tpu.memref_slice %arg2[%add3A_159, %dma_start3A_162] : memref<32768x2048xf32, #tpu.memory_space<hbm>> -> memref<8x2048xf32, #tpu.memory_space<hbm>>
        tpu.enqueue_dma source(%dma_start3A_163 : memref<8x2048xf32, #tpu.memory_space<hbm>>) target(%arg4 : memref<8x2048xf32, #tpu.memory_space<vmem>>) target_semaphore(%arg8 : memref<!tpu.dma_semaphore, #tpu.memory_space<semaphore_mem>>)
      } else {
      }
      %mul3A_122 = arith.constant 4 : i32
      %mul3A_123 = arith.muli %scan3A_26, %mul3A_122 : i32
      %add3A_124 = arith.constant 3 : i32
      %add3A_125 = arith.addi %mul3A_123, %add3A_124 : i32
      %dma_wait3A_126 = arith.constant 0 : i32
      %dma_wait3A_127 = tpu.memref_slice %arg2[%mul3A_2, %dma_wait3A_126] : memref<32768x2048xf32, #tpu.memory_space<hbm>> -> memref<8x2048xf32, #tpu.memory_space<hbm>>
      %dma_wait3A_128 = arith.constant 0 : i32
      %dma_wait3A_129 = tpu.memref_slice %arg2[%mul3A_2, %dma_wait3A_128] : memref<32768x2048xf32, #tpu.memory_space<hbm>> -> memref<8x2048xf32, #tpu.memory_space<hbm>>
      tpu.wait_dma2 semaphore(%arg11 : memref<!tpu.dma_semaphore, #tpu.memory_space<semaphore_mem>>) src(%dma_wait3A_129 : memref<8x2048xf32, #tpu.memory_space<hbm>>) dst(%arg7 : memref<8x2048xf32, #tpu.memory_space<vmem>>)
      %scan3A_130 = arith.constant 0 : i32
      %scan3A_131 = arith.constant 0 : i32
      %scan3A_132 = arith.constant 8 : i32
      %scan3A_133 = arith.addi %scan3A_131, %scan3A_132 : i32
      %scan3A_134 = arith.constant 1 : i32
      scf.for %scan3A_155 = %scan3A_131 to %scan3A_133 step %scan3A_134  : i32 {
        %broadcast_in_dim3A = arith.constant 0.000000e+00 : f32
        %broadcast_in_dim3A_156 = vector.broadcast %broadcast_in_dim3A : f32 to vector<16xf32>
        %scan3A_157 = arith.constant 0 : i32
        %scan3A_158 = arith.constant 32 : i32
        %scan3A_159 = arith.addi %scan3A_157, %scan3A_158 : i32
        %scan3A_160 = arith.constant 2 : i32
        %scan3A_161:4 = scf.for %scan3A_178 = %scan3A_157 to %scan3A_159 step %scan3A_160 iter_args(%scan3A_179 = %broadcast_in_dim3A_156, %scan3A_180 = %broadcast_in_dim3A_156, %scan3A_181 = %broadcast_in_dim3A_156, %scan3A_182 = %broadcast_in_dim3A_156) -> (vector<16xf32>, vector<16xf32>, vector<16xf32>, vector<16xf32>)  : i32 {
          %mul3A_183 = arith.constant 4 : i32
          %mul3A_184 = arith.muli %scan3A_178, %mul3A_183 : i32
          %mul3A_185 = arith.constant 16 : i32
          %mul3A_186 = arith.muli %mul3A_184, %mul3A_185 : i32
          %get3A = arith.index_cast %scan3A_155 : i32 to index
          %get3A_187 = arith.index_cast %mul3A_186 : i32 to index
          %get3A_188 = tpu.vector_load %arg7[%get3A, %get3A_187] {strides = array<i32>} : memref<8x2048xf32, #tpu.memory_space<vmem>>, vector<16xf32>,
          %exp3A = math.exp %get3A_188 : vector<16xf32>
          %add3A_189 = arith.constant 16 : i32
          %add3A_190 = arith.addi %mul3A_186, %add3A_189 : i32
          %get3A_191 = arith.index_cast %scan3A_155 : i32 to index
          %get3A_192 = arith.index_cast %add3A_190 : i32 to index
          %get3A_193 = tpu.vector_load %arg7[%get3A_191, %get3A_192] {strides = array<i32>} : memref<8x2048xf32, #tpu.memory_space<vmem>>, vector<16xf32>,
          %exp3A_194 = math.exp %get3A_193 : vector<16xf32>
          %add3A_195 = arith.constant 32 : i32
          %add3A_196 = arith.addi %mul3A_186, %add3A_195 : i32
          %get3A_197 = arith.index_cast %scan3A_155 : i32 to index
          %get3A_198 = arith.index_cast %add3A_196 : i32 to index
          %get3A_199 = tpu.vector_load %arg7[%get3A_197, %get3A_198] {strides = array<i32>} : memref<8x2048xf32, #tpu.memory_space<vmem>>, vector<16xf32>,
          %exp3A_200 = math.exp %get3A_199 : vector<16xf32>
          %add3A_201 = arith.constant 48 : i32
          %add3A_202 = arith.addi %mul3A_186, %add3A_201 : i32
          %get3A_203 = arith.index_cast %scan3A_155 : i32 to index
          %get3A_204 = arith.index_cast %add3A_202 : i32 to index
          %get3A_205 = tpu.vector_load %arg7[%get3A_203, %get3A_204] {strides = array<i32>} : memref<8x2048xf32, #tpu.memory_space<vmem>>, vector<16xf32>,
          %exp3A_206 = math.exp %get3A_205 : vector<16xf32>
          %swap3A = arith.index_cast %scan3A_155 : i32 to index
          %swap3A_207 = arith.index_cast %mul3A_186 : i32 to index
          %swap3A_208 = tpu.vector_load %arg7[%swap3A, %swap3A_207] {strides = array<i32>} : memref<8x2048xf32, #tpu.memory_space<vmem>>, vector<16xf32>,
          tpu.vector_store %arg7[%swap3A, %swap3A_207], %exp3A {strides = array<i32>} : memref<8x2048xf32, #tpu.memory_space<vmem>>, vector<16xf32>,
          %add3A_209 = arith.constant 16 : i32
          %add3A_210 = arith.addi %mul3A_186, %add3A_209 : i32
          %swap3A_211 = arith.index_cast %scan3A_155 : i32 to index
          %swap3A_212 = arith.index_cast %add3A_210 : i32 to index
          %swap3A_213 = tpu.vector_load %arg7[%swap3A_211, %swap3A_212] {strides = array<i32>} : memref<8x2048xf32, #tpu.memory_space<vmem>>, vector<16xf32>,
          tpu.vector_store %arg7[%swap3A_211, %swap3A_212], %exp3A_194 {strides = array<i32>} : memref<8x2048xf32, #tpu.memory_space<vmem>>, vector<16xf32>,
          %add3A_214 = arith.constant 32 : i32
          %add3A_215 = arith.addi %mul3A_186, %add3A_214 : i32
          %swap3A_216 = arith.index_cast %scan3A_155 : i32 to index
          %swap3A_217 = arith.index_cast %add3A_215 : i32 to index
          %swap3A_218 = tpu.vector_load %arg7[%swap3A_216, %swap3A_217] {strides = array<i32>} : memref<8x2048xf32, #tpu.memory_space<vmem>>, vector<16xf32>,
          tpu.vector_store %arg7[%swap3A_216, %swap3A_217], %exp3A_200 {strides = array<i32>} : memref<8x2048xf32, #tpu.memory_space<vmem>>, vector<16xf32>,
          %add3A_219 = arith.constant 48 : i32
          %add3A_220 = arith.addi %mul3A_186, %add3A_219 : i32
          %swap3A_221 = arith.index_cast %scan3A_155 : i32 to index
          %swap3A_222 = arith.index_cast %add3A_220 : i32 to index
          %swap3A_223 = tpu.vector_load %arg7[%swap3A_221, %swap3A_222] {strides = array<i32>} : memref<8x2048xf32, #tpu.memory_space<vmem>>, vector<16xf32>,
          tpu.vector_store %arg7[%swap3A_221, %swap3A_222], %exp3A_206 {strides = array<i32>} : memref<8x2048xf32, #tpu.memory_space<vmem>>, vector<16xf32>,
          %add3A_224 = arith.addf %scan3A_179, %exp3A : vector<16xf32>
          %add3A_225 = arith.addf %scan3A_180, %exp3A_194 : vector<16xf32>
          %add3A_226 = arith.addf %scan3A_181, %exp3A_200 : vector<16xf32>
          %add3A_227 = arith.addf %scan3A_182, %exp3A_206 : vector<16xf32>
          %scan3A_228 = arith.constant 1 : i32
          %scan3A_229 = arith.addi %scan3A_178, %scan3A_228 : i32
          %mul3A_230 = arith.constant 4 : i32
          %mul3A_231 = arith.muli %scan3A_229, %mul3A_230 : i32
          %mul3A_232 = arith.constant 16 : i32
          %mul3A_233 = arith.muli %mul3A_231, %mul3A_232 : i32
          %get3A_234 = arith.index_cast %scan3A_155 : i32 to index
          %get3A_235 = arith.index_cast %mul3A_233 : i32 to index
          %get3A_236 = tpu.vector_load %arg7[%get3A_234, %get3A_235] {strides = array<i32>} : memref<8x2048xf32, #tpu.memory_space<vmem>>, vector<16xf32>,
          %exp3A_237 = math.exp %get3A_236 : vector<16xf32>
          %add3A_238 = arith.constant 16 : i32
          %add3A_239 = arith.addi %mul3A_233, %add3A_238 : i32
          %get3A_240 = arith.index_cast %scan3A_155 : i32 to index
          %get3A_241 = arith.index_cast %add3A_239 : i32 to index
          %get3A_242 = tpu.vector_load %arg7[%get3A_240, %get3A_241] {strides = array<i32>} : memref<8x2048xf32, #tpu.memory_space<vmem>>, vector<16xf32>,
          %exp3A_243 = math.exp %get3A_242 : vector<16xf32>
          %add3A_244 = arith.constant 32 : i32
          %add3A_245 = arith.addi %mul3A_233, %add3A_244 : i32
          %get3A_246 = arith.index_cast %scan3A_155 : i32 to index
          %get3A_247 = arith.index_cast %add3A_245 : i32 to index
          %get3A_248 = tpu.vector_load %arg7[%get3A_246, %get3A_247] {strides = array<i32>} : memref<8x2048xf32, #tpu.memory_space<vmem>>, vector<16xf32>,
          %exp3A_249 = math.exp %get3A_248 : vector<16xf32>
          %add3A_250 = arith.constant 48 : i32
          %add3A_251 = arith.addi %mul3A_233, %add3A_250 : i32
          %get3A_252 = arith.index_cast %scan3A_155 : i32 to index
          %get3A_253 = arith.index_cast %add3A_251 : i32 to index
          %get3A_254 = tpu.vector_load %arg7[%get3A_252, %get3A_253] {strides = array<i32>} : memref<8x2048xf32, #tpu.memory_space<vmem>>, vector<16xf32>,
          %exp3A_255 = math.exp %get3A_254 : vector<16xf32>
          %swap3A_256 = arith.index_cast %scan3A_155 : i32 to index
          %swap3A_257 = arith.index_cast %mul3A_233 : i32 to index
          %swap3A_258 = tpu.vector_load %arg7[%swap3A_256, %swap3A_257] {strides = array<i32>} : memref<8x2048xf32, #tpu.memory_space<vmem>>, vector<16xf32>,
          tpu.vector_store %arg7[%swap3A_256, %swap3A_257], %exp3A_237 {strides = array<i32>} : memref<8x2048xf32, #tpu.memory_space<vmem>>, vector<16xf32>,
          %add3A_259 = arith.constant 16 : i32
          %add3A_260 = arith.addi %mul3A_233, %add3A_259 : i32
          %swap3A_261 = arith.index_cast %scan3A_155 : i32 to index
          %swap3A_262 = arith.index_cast %add3A_260 : i32 to index
          %swap3A_263 = tpu.vector_load %arg7[%swap3A_261, %swap3A_262] {strides = array<i32>} : memref<8x2048xf32, #tpu.memory_space<vmem>>, vector<16xf32>,
          tpu.vector_store %arg7[%swap3A_261, %swap3A_262], %exp3A_243 {strides = array<i32>} : memref<8x2048xf32, #tpu.memory_space<vmem>>, vector<16xf32>,
          %add3A_264 = arith.constant 32 : i32
          %add3A_265 = arith.addi %mul3A_233, %add3A_264 : i32
          %swap3A_266 = arith.index_cast %scan3A_155 : i32 to index
          %swap3A_267 = arith.index_cast %add3A_265 : i32 to index
          %swap3A_268 = tpu.vector_load %arg7[%swap3A_266, %swap3A_267] {strides = array<i32>} : memref<8x2048xf32, #tpu.memory_space<vmem>>, vector<16xf32>,
          tpu.vector_store %arg7[%swap3A_266, %swap3A_267], %exp3A_249 {strides = array<i32>} : memref<8x2048xf32, #tpu.memory_space<vmem>>, vector<16xf32>,
          %add3A_269 = arith.constant 48 : i32
          %add3A_270 = arith.addi %mul3A_233, %add3A_269 : i32
          %swap3A_271 = arith.index_cast %scan3A_155 : i32 to index
          %swap3A_272 = arith.index_cast %add3A_270 : i32 to index
          %swap3A_273 = tpu.vector_load %arg7[%swap3A_271, %swap3A_272] {strides = array<i32>} : memref<8x2048xf32, #tpu.memory_space<vmem>>, vector<16xf32>,
          tpu.vector_store %arg7[%swap3A_271, %swap3A_272], %exp3A_255 {strides = array<i32>} : memref<8x2048xf32, #tpu.memory_space<vmem>>, vector<16xf32>,
          %add3A_274 = arith.addf %add3A_224, %exp3A_237 : vector<16xf32>
          %add3A_275 = arith.addf %add3A_225, %exp3A_243 : vector<16xf32>
          %add3A_276 = arith.addf %add3A_226, %exp3A_249 : vector<16xf32>
          %add3A_277 = arith.addf %add3A_227, %exp3A_255 : vector<16xf32>
          scf.yield %add3A_274, %add3A_275, %add3A_276, %add3A_277 : vector<16xf32>, vector<16xf32>, vector<16xf32>, vector<16xf32>
        }
        %scan3A_162 = arith.constant 32 : i32
        %add3A_163 = arith.addf %scan3A_161#0, %scan3A_161#1 : vector<16xf32>
        %add3A_164 = arith.addf %scan3A_161#2, %scan3A_161#3 : vector<16xf32>
        %add3A_165 = arith.addf %add3A_163, %add3A_164 : vector<16xf32>
        %reduce_sum3A = arith.constant true
        %reduce_sum3A_166 = vector.broadcast %reduce_sum3A : i1 to vector<16xi1>
        %reduce_sum3A_167 = tpu.scan <sum>, %add3A_165 masked %reduce_sum3A_166 : vector<16xf32>, vector<16xi1> -> vector<16xf32>
        %reduce_sum3A_168 = vector.extract %reduce_sum3A_167[15] : f32 from vector<16xf32>
        %broadcast_in_dim3A_169 = vector.broadcast %reduce_sum3A_168 : f32 to vector<16xf32>
        %div3A = arith.constant 1.000000e+00 : f32
        %div3A_170 = vector.broadcast %div3A : f32 to vector<16xf32>
        %div3A_171 = arith.divf %div3A_170, %broadcast_in_dim3A_169 : vector<16xf32>
        %scan3A_172 = arith.constant 0 : i32
        %scan3A_173 = arith.constant 0 : i32
        %scan3A_174 = arith.constant 128 : i32
        %scan3A_175 = arith.addi %scan3A_173, %scan3A_174 : i32
        %scan3A_176 = arith.constant 8 : i32
        scf.for %scan3A_178 = %scan3A_173 to %scan3A_175 step %scan3A_176  : i32 {
          %mul3A_179 = arith.constant 16 : i32
          %mul3A_180 = arith.muli %scan3A_178, %mul3A_179 : i32
          %get3A = arith.index_cast %scan3A_155 : i32 to index
          %get3A_181 = arith.index_cast %mul3A_180 : i32 to index
          %get3A_182 = tpu.vector_load %arg7[%get3A, %get3A_181] {strides = array<i32>} : memref<8x2048xf32, #tpu.memory_space<vmem>>, vector<16xf32>,
          %mul3A_183 = arith.mulf %get3A_182, %div3A_171 : vector<16xf32>
          %swap3A = arith.index_cast %scan3A_155 : i32 to index
          %swap3A_184 = arith.index_cast %mul3A_180 : i32 to index
          %swap3A_185 = tpu.vector_load %arg7[%swap3A, %swap3A_184] {strides = array<i32>} : memref<8x2048xf32, #tpu.memory_space<vmem>>, vector<16xf32>,
          tpu.vector_store %arg7[%swap3A, %swap3A_184], %mul3A_183 {strides = array<i32>} : memref<8x2048xf32, #tpu.memory_space<vmem>>, vector<16xf32>,
          %scan3A_186 = arith.constant 1 : i32
          %scan3A_187 = arith.addi %scan3A_178, %scan3A_186 : i32
          %mul3A_188 = arith.constant 16 : i32
          %mul3A_189 = arith.muli %scan3A_187, %mul3A_188 : i32
          %get3A_190 = arith.index_cast %scan3A_155 : i32 to index
          %get3A_191 = arith.index_cast %mul3A_189 : i32 to index
          %get3A_192 = tpu.vector_load %arg7[%get3A_190, %get3A_191] {strides = array<i32>} : memref<8x2048xf32, #tpu.memory_space<vmem>>, vector<16xf32>,
          %mul3A_193 = arith.mulf %get3A_192, %div3A_171 : vector<16xf32>
          %swap3A_194 = arith.index_cast %scan3A_155 : i32 to index
          %swap3A_195 = arith.index_cast %mul3A_189 : i32 to index
          %swap3A_196 = tpu.vector_load %arg7[%swap3A_194, %swap3A_195] {strides = array<i32>} : memref<8x2048xf32, #tpu.memory_space<vmem>>, vector<16xf32>,
          tpu.vector_store %arg7[%swap3A_194, %swap3A_195], %mul3A_193 {strides = array<i32>} : memref<8x2048xf32, #tpu.memory_space<vmem>>, vector<16xf32>,
          %scan3A_197 = arith.constant 2 : i32
          %scan3A_198 = arith.addi %scan3A_178, %scan3A_197 : i32
          %mul3A_199 = arith.constant 16 : i32
          %mul3A_200 = arith.muli %scan3A_198, %mul3A_199 : i32
          %get3A_201 = arith.index_cast %scan3A_155 : i32 to index
          %get3A_202 = arith.index_cast %mul3A_200 : i32 to index
          %get3A_203 = tpu.vector_load %arg7[%get3A_201, %get3A_202] {strides = array<i32>} : memref<8x2048xf32, #tpu.memory_space<vmem>>, vector<16xf32>,
          %mul3A_204 = arith.mulf %get3A_203, %div3A_171 : vector<16xf32>
          %swap3A_205 = arith.index_cast %scan3A_155 : i32 to index
          %swap3A_206 = arith.index_cast %mul3A_200 : i32 to index
          %swap3A_207 = tpu.vector_load %arg7[%swap3A_205, %swap3A_206] {strides = array<i32>} : memref<8x2048xf32, #tpu.memory_space<vmem>>, vector<16xf32>,
          tpu.vector_store %arg7[%swap3A_205, %swap3A_206], %mul3A_204 {strides = array<i32>} : memref<8x2048xf32, #tpu.memory_space<vmem>>, vector<16xf32>,
          %scan3A_208 = arith.constant 3 : i32
          %scan3A_209 = arith.addi %scan3A_178, %scan3A_208 : i32
          %mul3A_210 = arith.constant 16 : i32
          %mul3A_211 = arith.muli %scan3A_209, %mul3A_210 : i32
          %get3A_212 = arith.index_cast %scan3A_155 : i32 to index
          %get3A_213 = arith.index_cast %mul3A_211 : i32 to index
          %get3A_214 = tpu.vector_load %arg7[%get3A_212, %get3A_213] {strides = array<i32>} : memref<8x2048xf32, #tpu.memory_space<vmem>>, vector<16xf32>,
          %mul3A_215 = arith.mulf %get3A_214, %div3A_171 : vector<16xf32>
          %swap3A_216 = arith.index_cast %scan3A_155 : i32 to index
          %swap3A_217 = arith.index_cast %mul3A_211 : i32 to index
          %swap3A_218 = tpu.vector_load %arg7[%swap3A_216, %swap3A_217] {strides = array<i32>} : memref<8x2048xf32, #tpu.memory_space<vmem>>, vector<16xf32>,
          tpu.vector_store %arg7[%swap3A_216, %swap3A_217], %mul3A_215 {strides = array<i32>} : memref<8x2048xf32, #tpu.memory_space<vmem>>, vector<16xf32>,
          %scan3A_219 = arith.constant 4 : i32
          %scan3A_220 = arith.addi %scan3A_178, %scan3A_219 : i32
          %mul3A_221 = arith.constant 16 : i32
          %mul3A_222 = arith.muli %scan3A_220, %mul3A_221 : i32
          %get3A_223 = arith.index_cast %scan3A_155 : i32 to index
          %get3A_224 = arith.index_cast %mul3A_222 : i32 to index
          %get3A_225 = tpu.vector_load %arg7[%get3A_223, %get3A_224] {strides = array<i32>} : memref<8x2048xf32, #tpu.memory_space<vmem>>, vector<16xf32>,
          %mul3A_226 = arith.mulf %get3A_225, %div3A_171 : vector<16xf32>
          %swap3A_227 = arith.index_cast %scan3A_155 : i32 to index
          %swap3A_228 = arith.index_cast %mul3A_222 : i32 to index
          %swap3A_229 = tpu.vector_load %arg7[%swap3A_227, %swap3A_228] {strides = array<i32>} : memref<8x2048xf32, #tpu.memory_space<vmem>>, vector<16xf32>,
          tpu.vector_store %arg7[%swap3A_227, %swap3A_228], %mul3A_226 {strides = array<i32>} : memref<8x2048xf32, #tpu.memory_space<vmem>>, vector<16xf32>,
          %scan3A_230 = arith.constant 5 : i32
          %scan3A_231 = arith.addi %scan3A_178, %scan3A_230 : i32
          %mul3A_232 = arith.constant 16 : i32
          %mul3A_233 = arith.muli %scan3A_231, %mul3A_232 : i32
          %get3A_234 = arith.index_cast %scan3A_155 : i32 to index
          %get3A_235 = arith.index_cast %mul3A_233 : i32 to index
          %get3A_236 = tpu.vector_load %arg7[%get3A_234, %get3A_235] {strides = array<i32>} : memref<8x2048xf32, #tpu.memory_space<vmem>>, vector<16xf32>,
          %mul3A_237 = arith.mulf %get3A_236, %div3A_171 : vector<16xf32>
          %swap3A_238 = arith.index_cast %scan3A_155 : i32 to index
          %swap3A_239 = arith.index_cast %mul3A_233 : i32 to index
          %swap3A_240 = tpu.vector_load %arg7[%swap3A_238, %swap3A_239] {strides = array<i32>} : memref<8x2048xf32, #tpu.memory_space<vmem>>, vector<16xf32>,
          tpu.vector_store %arg7[%swap3A_238, %swap3A_239], %mul3A_237 {strides = array<i32>} : memref<8x2048xf32, #tpu.memory_space<vmem>>, vector<16xf32>,
          %scan3A_241 = arith.constant 6 : i32
          %scan3A_242 = arith.addi %scan3A_178, %scan3A_241 : i32
          %mul3A_243 = arith.constant 16 : i32
          %mul3A_244 = arith.muli %scan3A_242, %mul3A_243 : i32
          %get3A_245 = arith.index_cast %scan3A_155 : i32 to index
          %get3A_246 = arith.index_cast %mul3A_244 : i32 to index
          %get3A_247 = tpu.vector_load %arg7[%get3A_245, %get3A_246] {strides = array<i32>} : memref<8x2048xf32, #tpu.memory_space<vmem>>, vector<16xf32>,
          %mul3A_248 = arith.mulf %get3A_247, %div3A_171 : vector<16xf32>
          %swap3A_249 = arith.index_cast %scan3A_155 : i32 to index
          %swap3A_250 = arith.index_cast %mul3A_244 : i32 to index
          %swap3A_251 = tpu.vector_load %arg7[%swap3A_249, %swap3A_250] {strides = array<i32>} : memref<8x2048xf32, #tpu.memory_space<vmem>>, vector<16xf32>,
          tpu.vector_store %arg7[%swap3A_249, %swap3A_250], %mul3A_248 {strides = array<i32>} : memref<8x2048xf32, #tpu.memory_space<vmem>>, vector<16xf32>,
          %scan3A_252 = arith.constant 7 : i32
          %scan3A_253 = arith.addi %scan3A_178, %scan3A_252 : i32
          %mul3A_254 = arith.constant 16 : i32
          %mul3A_255 = arith.muli %scan3A_253, %mul3A_254 : i32
          %get3A_256 = arith.index_cast %scan3A_155 : i32 to index
          %get3A_257 = arith.index_cast %mul3A_255 : i32 to index
          %get3A_258 = tpu.vector_load %arg7[%get3A_256, %get3A_257] {strides = array<i32>} : memref<8x2048xf32, #tpu.memory_space<vmem>>, vector<16xf32>,
          %mul3A_259 = arith.mulf %get3A_258, %div3A_171 : vector<16xf32>
          %swap3A_260 = arith.index_cast %scan3A_155 : i32 to index
          %swap3A_261 = arith.index_cast %mul3A_255 : i32 to index
          %swap3A_262 = tpu.vector_load %arg7[%swap3A_260, %swap3A_261] {strides = array<i32>} : memref<8x2048xf32, #tpu.memory_space<vmem>>, vector<16xf32>,
          tpu.vector_store %arg7[%swap3A_260, %swap3A_261], %mul3A_259 {strides = array<i32>} : memref<8x2048xf32, #tpu.memory_space<vmem>>, vector<16xf32>,
        }
        %scan3A_177 = arith.constant 128 : i32
      }
      %scan3A_135 = arith.constant 8 : i32
      %mul3A_136 = arith.constant 8 : i32
      %mul3A_137 = arith.muli %add3A_125, %mul3A_136 : i32
      %add3A_138 = arith.addi %mul3A_2, %mul3A_137 : i32
      %dma_start3A_139 = arith.constant 0 : i32
      %dma_start3A_140 = tpu.memref_slice %arg3[%add3A_138, %dma_start3A_139] : memref<32768x2048xf32, #tpu.memory_space<hbm>> -> memref<8x2048xf32, #tpu.memory_space<hbm>>
      %dma_start3A_141 = arith.constant 0 : i32
      %dma_start3A_142 = tpu.memref_slice %arg3[%add3A_138, %dma_start3A_141] : memref<32768x2048xf32, #tpu.memory_space<hbm>> -> memref<8x2048xf32, #tpu.memory_space<hbm>>
      tpu.enqueue_dma source(%arg7 : memref<8x2048xf32, #tpu.memory_space<vmem>>) target(%dma_start3A_142 : memref<8x2048xf32, #tpu.memory_space<hbm>>) target_semaphore(%arg15 : memref<!tpu.dma_semaphore, #tpu.memory_space<semaphore_mem>>)
      %ge3A_143 = arith.constant 2 : i32
      %ge3A_144 = arith.cmpi sge, %add3A_125, %ge3A_143 : i32
      %convert_element_type3A_145 = arith.extui %ge3A_144 : i1 to i32
      %cond3A_146 = arith.constant 0 : i32
      %cond3A_147 = arith.cmpi ne, %convert_element_type3A_145, %cond3A_146 : i32
      scf.if %cond3A_147 {
        %dma_wait3A_155 = arith.constant 0 : i32
        %dma_wait3A_156 = tpu.memref_slice %arg3[%mul3A_2, %dma_wait3A_155] : memref<32768x2048xf32, #tpu.memory_space<hbm>> -> memref<8x2048xf32, #tpu.memory_space<hbm>>
        %dma_wait3A_157 = arith.constant 0 : i32
        %dma_wait3A_158 = tpu.memref_slice %arg3[%mul3A_2, %dma_wait3A_157] : memref<32768x2048xf32, #tpu.memory_space<hbm>> -> memref<8x2048xf32, #tpu.memory_space<hbm>>
        tpu.wait_dma2 semaphore(%arg13 : memref<!tpu.dma_semaphore, #tpu.memory_space<semaphore_mem>>) src(%arg5 : memref<8x2048xf32, #tpu.memory_space<vmem>>) dst(%dma_wait3A_158 : memref<8x2048xf32, #tpu.memory_space<hbm>>)
      } else {
      }
      %add3A_148 = arith.constant 2 : i32
      %add3A_149 = arith.addi %add3A_125, %add3A_148 : i32
      %lt3A_150 = arith.constant 128 : i32
      %lt3A_151 = arith.cmpi slt, %add3A_149, %lt3A_150 : i32
      %convert_element_type3A_152 = arith.extui %lt3A_151 : i1 to i32
      %cond3A_153 = arith.constant 0 : i32
      %cond3A_154 = arith.cmpi ne, %convert_element_type3A_152, %cond3A_153 : i32
      scf.if %cond3A_154 {
        %add3A_155 = arith.constant 2 : i32
        %add3A_156 = arith.addi %add3A_125, %add3A_155 : i32
        %mul3A_157 = arith.constant 8 : i32
        %mul3A_158 = arith.muli %add3A_156, %mul3A_157 : i32
        %add3A_159 = arith.addi %mul3A_2, %mul3A_158 : i32
        %dma_start3A_160 = arith.constant 0 : i32
        %dma_start3A_161 = tpu.memref_slice %arg2[%add3A_159, %dma_start3A_160] : memref<32768x2048xf32, #tpu.memory_space<hbm>> -> memref<8x2048xf32, #tpu.memory_space<hbm>>
        %dma_start3A_162 = arith.constant 0 : i32
        %dma_start3A_163 = tpu.memref_slice %arg2[%add3A_159, %dma_start3A_162] : memref<32768x2048xf32, #tpu.memory_space<hbm>> -> memref<8x2048xf32, #tpu.memory_space<hbm>>
        tpu.enqueue_dma source(%dma_start3A_163 : memref<8x2048xf32, #tpu.memory_space<hbm>>) target(%arg5 : memref<8x2048xf32, #tpu.memory_space<vmem>>) target_semaphore(%arg9 : memref<!tpu.dma_semaphore, #tpu.memory_space<semaphore_mem>>)
      } else {
      }
    }
    %scan3A_18 = arith.constant 32 : i32
    %dma_wait3A = arith.constant 0 : i32
    %dma_wait3A_19 = tpu.memref_slice %arg3[%mul3A_2, %dma_wait3A] : memref<32768x2048xf32, #tpu.memory_space<hbm>> -> memref<8x2048xf32, #tpu.memory_space<hbm>>
    %dma_wait3A_20 = arith.constant 0 : i32
    %dma_wait3A_21 = tpu.memref_slice %arg3[%mul3A_2, %dma_wait3A_20] : memref<32768x2048xf32, #tpu.memory_space<hbm>> -> memref<8x2048xf32, #tpu.memory_space<hbm>>
    tpu.wait_dma2 semaphore(%arg14 : memref<!tpu.dma_semaphore, #tpu.memory_space<semaphore_mem>>) src(%arg6 : memref<8x2048xf32, #tpu.memory_space<vmem>>) dst(%dma_wait3A_21 : memref<8x2048xf32, #tpu.memory_space<hbm>>)
    %dma_wait3A_22 = arith.constant 0 : i32
    %dma_wait3A_23 = tpu.memref_slice %arg3[%mul3A_2, %dma_wait3A_22] : memref<32768x2048xf32, #tpu.memory_space<hbm>> -> memref<8x2048xf32, #tpu.memory_space<hbm>>
    %dma_wait3A_24 = arith.constant 0 : i32
    %dma_wait3A_25 = tpu.memref_slice %arg3[%mul3A_2, %dma_wait3A_24] : memref<32768x2048xf32, #tpu.memory_space<hbm>> -> memref<8x2048xf32, #tpu.memory_space<hbm>>
    tpu.wait_dma2 semaphore(%arg15 : memref<!tpu.dma_semaphore, #tpu.memory_space<semaphore_mem>>) src(%arg7 : memref<8x2048xf32, #tpu.memory_space<vmem>>) dst(%dma_wait3A_25 : memref<8x2048xf32, #tpu.memory_space<hbm>>)
    return
  }
}

</mosaic_0001>

<sc_bundles>
// kernel: kernel.3.cloned.1.call-start
scs
__scs_entry_jumppad:
0x0: {  	(pc) =	sbr.rel $0x88, $3  }
0x1: {  	(tag) =	ssettag $0x0;
	lr =	simm.s32 $0x1  }
0x2: {  	[smem:$0x3FA0] =	sst lr;
	_ =	strace $0xD0000000  }
0x3: {  	_ = 	snop  }
0x4: {  	_ = 	snop  }
0x5: {  	_ = 	snop  }
0x6: {  	_ = 	snop  }
0x7: {  	_ = 	snop  }
__scs_overlays_trampoline_lowered:
0x8: {  	[smem:$0x3FAF] =	sst s0  }
0x9: {  	[smem:$0x3FB0] =	sst s1  }
0xa: {  	[smem:$0x3FB1] =	sst s2  }
0xb: {  	[smem:$0x3FB2] =	sst s3  }
0xc: {  	[smem:$0x3FB3] =	sst s4  }
0xd: {  	[smem:$0x3FB4] =	sst s5  }
0xe: {  	[smem:$0x3FB5] =	sst s6  }
0xf: {  	[smem:$0x3FB6] =	sst s7  }
0x10: {  	[smem:$0x3FB7] =	sst s8  }
0x11: {  	[smem:$0x3FB8] =	sst s9;
	s0 =	simm.s32 @!p0 $0x0  }
0x12: {  	s1 =	sld [smem:$0x3F9E];
	s0 =	simm.s32 @p0 $0x1  }
0x13: {  	[smem:$0x3FB9] =	sst s0;
	s0 =	simm.s32 @!p1 $0x0  }
0x14: {  	s2 =	sld [smem:$0x3F9D];
	s0 =	simm.s32 @p1 $0x1  }
0x15: {  	[smem:$0x3FBA] =	sst s0;
	s0 =	simm.s32 @!p2 $0x0  }
0x16: {  	s3 =	sld [smem:$0x3FDB];
	s0 =	simm.s32 @p2 $0x1  }
0x17: {  	s4 =	simm.s32 $0x1BF5;
	[smem:$0x3FBC] =	sst s0  }
0x18: {  	s0 =	sld [smem:$0x3F9F];
	_ =	swait.ge [sflag:s4], $0x0  }
0x19: {  	s7 =	sld [smem:$0x3FA0]  }
0x1a: {  	s8 =	sadd.s32 $0xFFFFE003, lr  }
0x1b: {  	s9 =	sadd.s32 $0xFFFFFEF7, lr;
	s5 =	simm.s32 $0xFFFFFFFF;
	p2 =	slt.u32 s8, $0xFFFFF086  }
0x1c: {  	p1 =	slt.u32 s9, $0xF7A;
	s5 =	simm.s32 @!p2 $0x0  }
0x1d: {  	s5 =	simm.s32 @p1 $0x1;
	p0 =	seq.s32 s7, s2  }
0x1e: {  	s7 =	smul.u32 @!p0 $0xF7A, s2;
	p2 =	seq.s32 @!p0 s5, $0x0  }
0x1f: {  	s9 =	smul.u32 $0xF7A, s1;
	s8 =	simm.s32 @!p0 $0x1BF5;
	p2 =	por !p2, p0  }
0x20: {  	[sflag:s8] =	ssyncset.s32 @!p0 $0xFFFFF086;
	s6 =	sadd.s32 @!p0 s3, s7;
	s7 =	simm.s32 @!p0 $0x108  }
0x21: {  	s3 =	sadd.s32 s3, s9;
	s6 =	sadd.s32 @!p0 $0x88, s6;
	s7 =	simm.s32 @p2 $0x1082  }
0x22: {  	[simem:s7], [sflag:s8] =	dma.local @!p0 [hbm:s6], $0xF7A  }
0x23: {  	s9 =	sor.u32 $0xD0000000, s2;
	s6 =	simm.s32 $0x108;
	_ =	swait.ge @!p0 [sflag:s8], $0x0  }
0x24: {  	s3 =	sadd.s32 $0x88, s3;
	s6 =	simm.s32 @!p1 $0x1082;
	[sflag:s4] =	ssyncset.s32 $0xFFFFF086  }
0x25: {  	[simem:s6], [sflag:s4] =	dma.local [hbm:s3], $0xF7A  }
0x26: {  	[smem:$0x3FA0] =	sst s1;
	(tag) =	ssettag s2;
	_ =	strace s9  }
0x27: {  	s1 =	sld [smem:$0x3FB0]  }
0x28: {  	s2 =	sld [smem:$0x3FB1]  }
0x29: {  	s4 =	sld [smem:$0x3FB3]  }
0x2a: {  	p0 =	seq.s32 s5, $0x0;
	s5 =	sld [smem:$0x3FB4]  }
0x2b: {  	s6 =	sld [smem:$0x3FB5]  }
0x2c: {  	s7 =	sld [smem:$0x3FB6]  }
0x2d: {  	s3 =	simm.s32 $0x108;
	s8 =	sld [smem:$0x3FB7]  }
0x2e: {  	s3 =	simm.s32 @!p0 $0x1082;
	s9 =	sld [smem:$0x3FB8]  }
0x2f: {  	lr =	sadd.s32 s0, s3;
	s0 =	sld [smem:$0x3FAF]  }
0x30: {  	s3 =	sld [smem:$0x3FB2]  }
0x31: {  	[smem:$0x3FBB] =	sst s10  }
0x32: {  	s10 =	sld [smem:$0x3FB9];
	_ =	sdelay $0x3  }
0x33: {  	p0 =	seq.s32 s10, $0x1;
	s10 =	sld [smem:$0x3FBB];
	_ =	sdelay $0x3  }
0x34: {  	[smem:$0x3FBB] =	sst s10  }
0x35: {  	s10 =	sld [smem:$0x3FBA];
	_ =	sdelay $0x3  }
0x36: {  	p1 =	seq.s32 s10, $0x1;
	s10 =	sld [smem:$0x3FBB];
	_ =	sdelay $0x3  }
0x37: {  	[smem:$0x3FBB] =	sst s10  }
0x38: {  	s10 =	sld [smem:$0x3FBC]  }
0x39: {  	_ = 	snop;
	(pc) =	sbr.ind lr, $3  }
0x3a: {  	_ = 	snop  }
0x3b: {  	_ = 	snop  }
0x3c: {  	p2 =	seq.s32 s10, $0x1;
	s10 =	sld [smem:$0x3FBB]  }
0x3d: {  	_ =	shalt  }
0x3e: {  	_ =	shalt  }
0x3f: {  	_ =	shalt  }
0x40: {  	_ =	shalt  }
0x41: {  	_ =	shalt  }
0x42: {  	_ =	shalt  }
0x43: {  	_ =	shalt  }
0x44: {  	_ =	shalt  }
0x45: {  	_ =	shalt  }
0x46: {  	_ =	shalt  }
0x47: {  	_ =	shalt  }
0x48: {  	_ =	shalt  }
0x49: {  	_ =	shalt  }
0x4a: {  	_ =	shalt  }
0x4b: {  	_ =	shalt  }
0x4c: {  	_ =	shalt  }
0x4d: {  	_ =	shalt  }
0x4e: {  	_ =	shalt  }
0x4f: {  	_ =	shalt  }
0x50: {  	_ =	shalt  }
0x51: {  	_ =	shalt  }
0x52: {  	_ =	shalt  }
0x53: {  	_ =	shalt  }
0x54: {  	_ =	shalt  }
0x55: {  	_ =	shalt  }
0x56: {  	_ =	shalt  }
0x57: {  	_ =	shalt  }
0x58: {  	_ =	shalt  }
0x59: {  	_ =	shalt  }
0x5a: {  	_ =	shalt  }
0x5b: {  	_ =	shalt  }
0x5c: {  	_ =	shalt  }
0x5d: {  	_ =	shalt  }
0x5e: {  	_ =	shalt  }
0x5f: {  	_ =	shalt  }
0x60: {  	_ =	shalt  }
0x61: {  	_ =	shalt  }
0x62: {  	_ =	shalt  }
0x63: {  	_ =	shalt  }
0x64: {  	_ =	shalt  }
0x65: {  	_ =	shalt  }
0x66: {  	_ =	shalt  }
0x67: {  	_ =	shalt  }
0x68: {  	_ =	shalt  }
0x69: {  	_ =	shalt  }
0x6a: {  	_ =	shalt  }
0x6b: {  	_ =	shalt  }
0x6c: {  	_ =	shalt  }
0x6d: {  	_ =	shalt  }
0x6e: {  	_ =	shalt  }
0x6f: {  	_ =	shalt  }
0x70: {  	_ =	shalt  }
0x71: {  	_ =	shalt  }
0x72: {  	_ =	shalt  }
0x73: {  	_ =	shalt  }
0x74: {  	_ =	shalt  }
0x75: {  	_ =	shalt  }
0x76: {  	_ =	shalt  }
0x77: {  	_ =	shalt  }
0x78: {  	_ =	shalt  }
0x79: {  	_ =	shalt  }
0x7a: {  	_ =	shalt  }
0x7b: {  	_ =	shalt  }
0x7c: {  	_ =	shalt  }
0x7d: {  	_ =	shalt  }
0x7e: {  	_ =	shalt  }
0x7f: {  	_ =	shalt  }
0x80: {  	_ =	shalt  }
0x81: {  	_ =	shalt  }
0x82: {  	_ =	shalt  }
0x83: {  	_ =	shalt  }
0x84: {  	_ =	shalt  }
0x85: {  	_ =	shalt  }
0x86: {  	_ =	shalt  }
0x87: {  	_ =	shalt  }
.Lfunc_end0:
.L_simem_size_0:
called_computation_lowered:
.L_overlay_start_0:
0x88: {  	s2 =	sld [smem:$0x3FD9]  }
0x89: {  	s3 =	sld [smem:$0x3FFE];
	_ =	sdelay $0x1  }
0x8a: {  	s1 =	srdreg.scid  }
0x8b: {  	s0 =	sand.u32 $0x1, s1  }
0x8c: {  	s18 =	sshll.u32 s0, $0xA;
	s2 =	sadd.s32 s3, s2  }
0x8d: {  	s2 =	sadd.s32 s2, s18  }
0x8e: {  	[smem:$0x3FC7] =	sst s2  }
0x8f: {  	_ = 	snop  }
0x90: {  	s2 =	sld [smem:$0x3FC9]  }
0x91: {  	s19 =	sld [smem:$0x3FD0];
	(tm) =	ssettm $0x1  }
0x92: {  	s4 =	sld [smem:$0x3FFB];
	_ =	sdelay $0x3  }
0x93: {  	_ =	strace s4  }
0x94: {  	s4 =	sld [smem:$0x3FFC];
	_ =	sdelay $0x3  }
0x95: {  	_ =	strace s4  }
0x96: {  	s4 =	sld [smem:$0x3FFD];
	_ =	sdelay $0x3  }
0x97: {  	_ =	strace s4  }
0x98: {  	_ =	strace $0x8FFFFFFF  }
0x99: {  	s20 =	sld [smem:$0x3FDB];
	_ =	sdelay $0x1  }
0x9a: {  	s5 =	simm.s32 $_scs_section_size  }
0x9b: {  	s6 =	simm.s32 $_size__tile_overlayer_lowered;
	s7 =	simm.s32 $_tile_overlayer_lowered  }
0x9c: {  	s23 =	simm.s32 $0x1BFF;
	s22 =	sshll.u32 s7, $0x1;
	s4 =	sadd.s32 s5, s20  }
0x9d: {  	s8 =	simm.s32 $0x0;
	s21 =	sshll.u32 s6, $0x1;
	s6 =	sadd.s32 s22, s4  }
0x9e: {  	[timem:s8], [sflag:s23] =	dma.local [hbm:s6], s21  }
0x9f: {  	_ =	swait.ge [sflag:s23], s21  }
0xa0: {  	s5 =	ssub.s32 $0x0, s21;
	[sflag:s23] =	ssyncset.done $0x0  }
0xa1: {  	[sflag:s23] =	ssyncadd.s32 s5;
	_ =	sdelay $0x1  }
0xa2: {  	s24 =	simm.s32 $0x1B8B  }
0xa3: {  	_ =	swait.ge [sflag:s24], $0x1  }
0xa4: {  	[sflag:s24] =	ssyncset.done $0x0  }
0xa5: {  	s25 =	simm.s32 $0x1B8E;
	[sflag:s24] =	ssyncadd.s32 $0xFFFFFFFF  }
0xa6: {  	s26 =	simm.s32 $execute0_lowered;
	[smem:$0x3FD2] =	sst s25  }
0xa7: {  	s5 =	sshll.u32 s26, $0x1;
	_ =	strace $0x80000046;
	[dreg:$0x1] =	wrdreg $0xFFFFFFFF  }
0xa8: {  	s28 =	simm.s32 $_size_execute0_lowered;
	s4 =	sadd.s32 s4, s5;
	[dreg:$0x0] =	wrdreg $0x0  }
0xa9: {  	s5 =	sshll.u32 s28, $0x1;
	[dreg:$0x2] =	wrdreg s4  }
0xaa: {  	[dreg:$0x3] =	wrdreg s5  }
0xab: {  	[dreg:$0x4] =	wrdreg $0xC0  }
0xac: {  	_ =	task [dreg:s8], $0x5FFFF  }
0xad: {  	[dreg:$0x1] =	wrdreg $0xFFFFFFFF  }
0xae: {  	[dreg:$0x0] =	wrdreg $0x60  }
0xaf: {  	[dreg:$0x2] =	wrdreg s2  }
0xb0: {  	[dreg:$0x3] =	wrdreg s19  }
0xb1: {  	[dreg:$0x4] =	wrdreg $0x9  }
0xb2: {  	_ =	task.clear_ibuf [dreg:s8], $0x5FFFF;
	_ =	strace $0x90000046  }
0xb3: {  	s29 =	simm.s32 $0x9;
	_ =	strace $0x80000048  }
0xb4: {  	_ =	swait.ge [sflag:s29], $0x1  }
0xb5: {  	[sflag:s29] =	ssyncadd.s32 $0xFFFFFFFF  }
0xb6: {  	_ =	strace $0x90000048  }
0xb7: {  	_ =	sfence  }
0xb8: {  	s30 =	sld [smem:$0x0];
	_ =	sdelay $0x2  }
0xb9: {  	s31 =	sshll.u32 s1, $0xD;
	s1 =	sshrl.u32 s1, $0x2  }
0xba: {  	s3 =	sand.u32 $0x4000, s31;
	s1 =	sadd.s32 s1, s30  }
0xbb: {  	s0 =	sor.u32 s3, s0;
	s1 =	sshll.u32 s1, $0x11  }
0xbc: {  	s0 =	sor.u32 s1, s0  }
0xbd: {  	s0 =	sadd.s32 $0x8F2B, s0  }
0xbe: {  	[sflag:s0] =	ssyncadd.remote.s32 $0x1  }
0xbf: {  	_ =	sfence.sel $0xFFFF  }
0xc0: {  	[dreg:$0x0] =	wrdreg $0xFFFFFFFF;
	(pc) =	sbr.abs _section_cstart, $3  }
0xc1: {  	[dreg:$0x1] =	wrdreg $0xFFFFFFFF  }
0xc2: {  	_ =	task.clear_ibuf [dreg:s8], $0x2FFFF;
	_ =	strace $0x9FFFFFFF  }
0xc3: {  	(tm) =	ssettm $0x7FFFFFFF  }
tec
execute0_lowered:
.L_overlay_start_1:
0x0: {  	(tag) =	ssettag $0x1  }
0x1: {  	s2 =	rddreg [dreg:$0x0];
	s0 =	srdreg.scid  }
0x2: {  	s3 =	rddreg [dreg:$0x1];
	s1 =	stileid.u32;
	s4 =	simm.s32 $0x0  }
0x3: {  	s12 =	simm.s32 $0x4000;
	s13 =	simm.s32 $0x1;
	s14 =	simm.s32 $0x8000  }
0x4: {  	s15 =	simm.s32 $0x2;
	s16 =	simm.s32 $0xC000;
	s17 =	simm.s32 $0x3  }
0x5: {  	s18 =	simm.s32 $0x5;
	s19 =	simm.s32 $0x4;
	s20 =	simm.s32 $0x6  }
0x6: {  	s21 =	simm.s32 $0x7;
	s22 =	simm.s32 $0x8;
	s23 =	simm.s32 $0x0  }
0x7: {  	s0 =	sand.u32 $0x1, s0;
	s1 =	sshll.u32 s1, $0xB;
	[smem:$0x7FF] =	sst s4  }
.Ltmp0:
0x8: {  	s5 =	sshll.u32 s0, $0xA;
	s0 =	ssub.s32 $0x2, s0;
	(pc) =	sbr.rel .LBB2_1-.Ltmp0, $4  }
0x9: {  	_ =	strace $0x80000047;
	s1 =	sor.u32 s5, s1;
	s31 =	sshrl.u32 s0, $0x1  }
0xa: {  	s7 =	sshll.u32 s1, $0x8;
	s0 =	ssub.s32 s0, s31;
	s8 =	sshrl.u32 s1, $0x3  }
0xb: {  	s5 =	sadd.s32 s2, s7;
	s7 =	sadd.s32 s3, s7;
	s9 =	sor.u32 $0x4, s8  }
0xc: {  	s10 =	sor.u32 $0x5, s8;
	s11 =	smax.u32 s0, $0x1;
	s6 =	sadd.s32 $0x800, s5  }
.LBB2_28:
0xd: {  	s23 =	sadd.s32 $0x1, s23  }
0xe: {  	_ =	swait.ge [sflag:s21], $0x4000;
	p0 =	sne.s32 s23, s11  }
.Ltmp1:
0xf: {  	[sflag:s21] =	ssyncset.done $0x0;
	(pc) =	sbr.rel @!p0 .LBB2_29-.Ltmp1, $4  }
0x10: {  	[sflag:s21] =	ssyncadd.s32 $0xFFFFC000  }
0x11: {  	_ =	swait.ge [sflag:s22], $0x4000  }
0x12: {  	[sflag:s22] =	ssyncset.done $0x0  }
0x13: {  	[sflag:s22] =	ssyncadd.s32 $0xFFFFC000  }
.LBB2_1:
0x14: {  	[tilespmem:s4], [sflag:$0x1] =	stream.linear.gather [hbm4b:s5+s4], $0x4000, $0x38;
	[tilespmem:$0x10000] =	vst v63  }
0x15: {  	s24 =	simm.s32 $0x0  }
0x16: {  	[tilespmem:s12], [sflag:$0x2] =	stream.linear.gather [hbm4b:s6+s4], $0x4000, $0x38;
	[tilespmem:$0x10000] =	vst v63  }
.LBB2_2:
0x17: {  	_ =	swait.ge [sflag:s13], $0x4000  }
0x18: {  	[sflag:s13] =	ssyncset.done $0x0  }
0x19: {  	s25 =	simm.s32 $0x0;
	s26 =	simm.s32 $0x40;
	[sflag:s13] =	ssyncadd.s32 $0xFFFFC000  }
.LBB2_3:
0x1a: {  	v0 =	vld [tilespmem:s26+$0xFFFFFFF0]  }
0x1b: {  	v1 =	vld [tilespmem:s26+$0xFFFFFFC0];
	_ =	sdelay $0x1  }
0x1c: {  	v2 =	vld [tilespmem:s26+$0xFFFFFFD0]  }
0x1d: {  	v3 =	vld [tilespmem:s26+$0xFFFFFFE0]  }
0x1e: {  	v4 =	vld [tilespmem:s26+$0x0];
	v0 =	vmul.f32 $1.442695020e+00, v0  }
0x1f: {  	v5 =	vld [tilespmem:s26+$0x10];
	v1 =	vmul.f32 $1.442695020e+00, v1  }
0x20: {  	(erf) = vpow2.f32 v0;
	v0 =	vld [tilespmem:s26+$0x20]  }
0x21: {  	(erf) = vpow2.f32 v1;
	v1 =	vmul.f32 $1.442695020e+00, v2;
	v2 =	vld [tilespmem:s26+$0x30]  }
0x22: {  	v3 =	vmul.f32 $1.442695020e+00, v3  }
0x23: {  	v4 =	vmul.f32 $1.442695020e+00, v4;
	(erf) = vpow2.f32 v1  }
0x24: {  	v1 =	vmul.f32 $1.442695020e+00, v5;
	(erf) = vpow2.f32 v3  }
0x25: {  	v0 =	vmul.f32 $1.442695020e+00, v0;
	(erf) = vpow2.f32 v4  }
0x26: {  	v2 =	vmul.f32 $1.442695020e+00, v2;
	(erf) = vpow2.f32 v1  }
0x27: {  	(erf) = vpow2.f32 v0  }
0x28: {  	(erf) = vpow2.f32 v2;
	_ =	sdelay $0x1  }
0x29: {  	v3 =	vimm.f32 $0.0e+00;
	v4 =	vpop (erf)  }
0x2a: {  	s29 =	simm.s32 $0x0;
	s0 =	sadd.s32 $0x400, s26;
	s28 =	smov.u32 s26;
	v1 =	vimm.f32 $0.0e+00;
	v0 =	vimm.f32 $0.0e+00;
	v2 =	vimm.f32 $0.0e+00;
	[tilespmem:s26+$0xFFFFFFF0] =	vst v4;
	v5 =	vpop (erf)  }
.LBB2_4:
0x2b: {  	v6 =	vld [tilespmem:s0+$0xFFFFFFF0];
	[tilespmem:s28+$0xFFFFFFC0] =	vst v5;
	v0 =	vadd.f32 v5, v0;
	v5 =	vpop (erf)  }
0x2c: {  	v7 =	vld [tilespmem:s0+$0xFFFFFFC0];
	[tilespmem:s28+$0xFFFFFFD0] =	vst v5;
	v2 =	vadd.f32 v5, v2;
	v5 =	vpop (erf)  }
0x2d: {  	v8 =	vld [tilespmem:s0+$0xFFFFFFD0];
	[tilespmem:s28+$0xFFFFFFE0] =	vst v5;
	v3 =	vadd.f32 v5, v3;
	v5 =	vpop (erf)  }
0x2e: {  	v9 =	vld [tilespmem:s0+$0xFFFFFFE0];
	[tilespmem:s28+$0x0] =	vst v5;
	v0 =	vadd.f32 v5, v0;
	v5 =	vpop (erf)  }
0x2f: {  	v1 =	vadd.f32 v4, v1;
	v10 =	vld [tilespmem:s0+$0x0];
	[tilespmem:s28+$0x10] =	vst v5;
	v2 =	vadd.f32 v5, v2;
	v4 =	vpop (erf)  }
0x30: {  	s29 =	sadd.s32 $0x2, s29;
	v5 =	vmul.f32 $1.442695020e+00, v6;
	v6 =	vld [tilespmem:s0+$0x10];
	[tilespmem:s28+$0x20] =	vst v4;
	v3 =	vadd.f32 v4, v3;
	v4 =	vpop (erf)  }
0x31: {  	p0 =	slt.u32 s29, $0x1E;
	v7 =	vmul.f32 $1.442695020e+00, v7;
	v11 =	vld [tilespmem:s0+$0x20];
	[tilespmem:s28+$0x30] =	vst v4;
	v1 =	vadd.f32 v4, v1;
	s28 =	smov.u32 s0  }
0x32: {  	v4 =	vmul.f32 $1.442695020e+00, v8;
	v8 =	vld [tilespmem:s0+$0x30];
	(erf) = vpow2.f32 v5  }
0x33: {  	v5 =	vmul.f32 $1.442695020e+00, v9;
	(erf) = vpow2.f32 v7  }
0x34: {  	v7 =	vmul.f32 $1.442695020e+00, v10;
	(erf) = vpow2.f32 v4  }
0x35: {  	v4 =	vmul.f32 $1.442695020e+00, v6;
	(erf) = vpow2.f32 v5  }
0x36: {  	v5 =	vmul.f32 $1.442695020e+00, v11;
	(erf) = vpow2.f32 v7  }
0x37: {  	v6 =	vmul.f32 $1.442695020e+00, v8;
	(erf) = vpow2.f32 v4  }
.Ltmp2:
0x38: {  	(erf) = vpow2.f32 v5;
	(pc) =	sbr.rel @p0 .LBB2_4-.Ltmp2, $3  }
0x39: {  	(erf) = vpow2.f32 v6;
	_ =	sdelay $0x1  }
0x3a: {  	v4 =	vpop (erf)  }
0x3b: {  	s0 =	sadd.s32 $0x400, s0;
	[tilespmem:s28+$0xFFFFFFF0] =	vst v4;
	v5 =	vpop (erf)  }
0x3c: {  	v6 =	vpop (erf)  }
0x3d: {  	v7 =	vpop (erf)  }
0x3e: {  	v8 =	vpop (erf)  }
0x3f: {  	v0 =	vadd.f32 v5, v0;
	v2 =	vadd.f32 v6, v2;
	v9 =	vpop (erf)  }
0x40: {  	v1 =	vadd.f32 v4, v1;
	v3 =	vadd.f32 v7, v3;
	v4 =	vpop (erf)  }
0x41: {  	v0 =	vadd.f32 v8, v0;
	v2 =	vadd.f32 v9, v2;
	v10 =	vpop (erf)  }
0x42: {  	v3 =	vadd.f32 v4, v3;
	v1 =	vadd.f32 v10, v1;
	_ =	sdelay $0x1  }
0x43: {  	v0 =	vadd.f32 v2, v0;
	v1 =	vadd.f32 v1, v3;
	_ =	sdelay $0x1  }
0x44: {  	v0 =	vadd.f32 v1, v0;
	_ =	sdelay $0x1  }
0x45: {  	(xrf2) =	vadd.scan.msk.f32 $0xffff, v0;
	_ =	sdelay $0x9  }
0x46: {  	v0, _, _ =	vpop (xrf2)  }
0x47: {  	[tilespmem:s28+$0xFFFFFFC0] =	vst v5;
	v0 =	vbroadcast v0, $0xF  }
0x48: {  	[tilespmem:s28+$0xFFFFFFD0] =	vst v6  }
0x49: {  	[tilespmem:s28+$0xFFFFFFE0] =	vst v7;
	(erf) = vrcp.f32 v0  }
0x4a: {  	[tilespmem:s28+$0x0] =	vst v8  }
0x4b: {  	[tilespmem:s28+$0x10] =	vst v9  }
0x4c: {  	[tilespmem:s28+$0x20] =	vst v4  }
0x4d: {  	[tilespmem:s28+$0x30] =	vst v10  }
0x4e: {  	v2 =	vld [tilespmem:s26+$0xFFFFFFC0];
	_ =	sdelay $0x1  }
0x4f: {  	v5 =	vld [tilespmem:s26+$0xFFFFFFD0]  }
0x50: {  	v7 =	vld [tilespmem:s26+$0xFFFFFFE0]  }
0x51: {  	v3 =	vld [tilespmem:s26+$0x0];
	v0 =	vpop (erf)  }
0x52: {  	v1 =	vld [tilespmem:s26+$0x10];
	v6 =	vmul.f32 v2, v0  }
0x53: {  	v4 =	vld [tilespmem:s26+$0x20]  }
0x54: {  	v2 =	vld [tilespmem:s26+$0x30];
	[tilespmem:s26+$0xFFFFFFC0] =	vst v6;
	v6 =	vmul.f32 v5, v0  }
0x55: {  	s1 =	simm.s32 $0x0;
	s0 =	smov.u32 s26;
	s28 =	sadd.s32 $0x400, s26;
	v7 =	vmul.f32 v7, v0;
	v5 =	vld [tilespmem:s26+$0xFFFFFFF0]  }
.LBB2_6:
0x56: {  	v8 =	vld [tilespmem:s28+$0xFFFFFFC0];
	[tilespmem:s0+$0xFFFFFFD0] =	vst v6;
	v3 =	vmul.f32 v3, v0  }
0x57: {  	s1 =	sadd.s32 $0x8, s1;
	v6 =	vld [tilespmem:s28+$0xFFFFFFD0];
	[tilespmem:s0+$0xFFFFFFE0] =	vst v7;
	v1 =	vmul.f32 v1, v0  }
0x58: {  	p0 =	slt.u32 s1, $0x78;
	v7 =	vld [tilespmem:s28+$0xFFFFFFE0];
	[tilespmem:s0+$0x0] =	vst v3;
	v4 =	vmul.f32 v4, v0  }
.Ltmp3:
0x59: {  	v3 =	vld [tilespmem:s28+$0x0];
	[tilespmem:s0+$0x10] =	vst v1;
	v2 =	vmul.f32 v2, v0;
	(pc) =	sbr.rel @p0 .LBB2_6-.Ltmp3, $4  }
0x5a: {  	v1 =	vld [tilespmem:s28+$0x10];
	v5 =	vmul.f32 v5, v0;
	[tilespmem:s0+$0x20] =	vst v4  }
0x5b: {  	v8 =	vmul.f32 v8, v0;
	v4 =	vld [tilespmem:s28+$0x20];
	[tilespmem:s0+$0x30] =	vst v2  }
0x5c: {  	v6 =	vmul.f32 v6, v0;
	v2 =	vld [tilespmem:s28+$0x30];
	[tilespmem:s0+$0xFFFFFFF0] =	vst v5;
	s0 =	smov.u32 s28  }
0x5d: {  	s28 =	sadd.s32 $0x400, s28;
	[tilespmem:s0+$0xFFFFFFC0] =	vst v8;
	v7 =	vmul.f32 v7, v0;
	v5 =	vld [tilespmem:s0+$0xFFFFFFF0]  }
0x5e: {  	[tilespmem:s0+$0xFFFFFFD0] =	vst v6;
	v3 =	vmul.f32 v3, v0;
	s25 =	sadd.s32 $0x1, s25  }
0x5f: {  	[tilespmem:s0+$0xFFFFFFE0] =	vst v7;
	v1 =	vmul.f32 v1, v0;
	p0 =	sne.s32 s25, $0x8  }
.Ltmp4:
0x60: {  	[tilespmem:s0+$0x0] =	vst v3;
	v61 =	vmul.f32 v4, v0;
	(pc) =	sbr.rel @p0 .LBB2_3-.Ltmp4, $4  }
0x61: {  	[tilespmem:s0+$0x10] =	vst v1;
	v62 =	vmul.f32 v2, v0  }
0x62: {  	v63 =	vmul.f32 v5, v0;
	[tilespmem:s0+$0x20] =	vst v61  }
0x63: {  	[tilespmem:s0+$0x30] =	vst v62  }
0x64: {  	s26 =	sadd.s32 $0x80, s26;
	[tilespmem:s0+$0xFFFFFFF0] =	vst v63  }
0x65: {  	s0 =	sshll.u32 s24, $0xD;
	s25 =	sshll.u32 s24, $0x2  }
0x66: {  	p0 =	seq.s32 s24, $0x0;
	s0 =	sadd.s32 s0, s7;
	s31 =	sadd.s32 s25, s8  }
0x67: {  	[hbm4b:s0+s4] =	stream.linear.scatter [tilespmem:s4], [sflag:$0x5], $0x4000, $0x38;
	[tilespmem:$0x10000] =	vst v63  }
0x68: {  	s1 =	simm.s32 @!p0 $0x7;
	s26 =	sshll.u32 s31, $0xB  }
0x69: {  	_ =	swait.ge @!p0 [sflag:s1], $0x4000;
	s0 =	sadd.s32 $0x1000, s26  }
0x6a: {  	[sflag:s1] =	ssyncset.done @!p0 $0x0;
	s28 =	sand.u32 $0x1FFFF000, s0  }
0x6b: {  	s29 =	simm.s32 $0x0;
	[sflag:s1] =	ssyncadd.s32 @!p0 $0xFFFFC000;
	s0 =	sadd.s32 s2, s28  }
0x6c: {  	[tilespmem:s14], [sflag:$0x3] =	stream.linear.gather [hbm4b:s0+s29], $0x4000, $0x38;
	[tilespmem:$0x10000] =	vst v63  }
0x6d: {  	_ =	swait.ge [sflag:s15], $0x4000  }
0x6e: {  	[sflag:s15] =	ssyncset.done $0x0  }
0x6f: {  	s30 =	simm.s32 $0x4040;
	[sflag:s15] =	ssyncadd.s32 $0xFFFFC000  }
.LBB2_9:
0x70: {  	v0 =	vld [tilespmem:s30+$0xFFFFFFF0]  }
0x71: {  	v1 =	vld [tilespmem:s30+$0xFFFFFFC0];
	_ =	sdelay $0x1  }
0x72: {  	v2 =	vld [tilespmem:s30+$0xFFFFFFD0]  }
0x73: {  	v3 =	vld [tilespmem:s30+$0xFFFFFFE0]  }
0x74: {  	v4 =	vld [tilespmem:s30+$0x0];
	v0 =	vmul.f32 $1.442695020e+00, v0  }
0x75: {  	v5 =	vld [tilespmem:s30+$0x10];
	v1 =	vmul.f32 $1.442695020e+00, v1  }
0x76: {  	(erf) = vpow2.f32 v0;
	v0 =	vld [tilespmem:s30+$0x20]  }
0x77: {  	(erf) = vpow2.f32 v1;
	v1 =	vmul.f32 $1.442695020e+00, v2;
	v2 =	vld [tilespmem:s30+$0x30]  }
0x78: {  	v3 =	vmul.f32 $1.442695020e+00, v3  }
0x79: {  	v4 =	vmul.f32 $1.442695020e+00, v4;
	(erf) = vpow2.f32 v1  }
0x7a: {  	v1 =	vmul.f32 $1.442695020e+00, v5;
	(erf) = vpow2.f32 v3  }
0x7b: {  	v0 =	vmul.f32 $1.442695020e+00, v0;
	(erf) = vpow2.f32 v4  }
0x7c: {  	v2 =	vmul.f32 $1.442695020e+00, v2;
	(erf) = vpow2.f32 v1  }
0x7d: {  	(erf) = vpow2.f32 v0  }
0x7e: {  	(erf) = vpow2.f32 v2;
	_ =	sdelay $0x1  }
0x7f: {  	v3 =	vimm.f32 $0.0e+00;
	v4 =	vpop (erf)  }
0x80: {  	s0 =	simm.s32 $0x0;
	s1 =	sadd.s32 $0x400, s30;
	s31 =	smov.u32 s30;
	v1 =	vimm.f32 $0.0e+00;
	v0 =	vimm.f32 $0.0e+00;
	v2 =	vimm.f32 $0.0e+00;
	[tilespmem:s30+$0xFFFFFFF0] =	vst v4;
	v5 =	vpop (erf)  }
.LBB2_10:
0x81: {  	v6 =	vld [tilespmem:s1+$0xFFFFFFF0];
	[tilespmem:s31+$0xFFFFFFC0] =	vst v5;
	v0 =	vadd.f32 v5, v0;
	v5 =	vpop (erf)  }
0x82: {  	v7 =	vld [tilespmem:s1+$0xFFFFFFC0];
	[tilespmem:s31+$0xFFFFFFD0] =	vst v5;
	v2 =	vadd.f32 v5, v2;
	v5 =	vpop (erf)  }
0x83: {  	v8 =	vld [tilespmem:s1+$0xFFFFFFD0];
	[tilespmem:s31+$0xFFFFFFE0] =	vst v5;
	v3 =	vadd.f32 v5, v3;
	v5 =	vpop (erf)  }
0x84: {  	v9 =	vld [tilespmem:s1+$0xFFFFFFE0];
	[tilespmem:s31+$0x0] =	vst v5;
	v0 =	vadd.f32 v5, v0;
	v5 =	vpop (erf)  }
0x85: {  	v1 =	vadd.f32 v4, v1;
	v10 =	vld [tilespmem:s1+$0x0];
	[tilespmem:s31+$0x10] =	vst v5;
	v2 =	vadd.f32 v5, v2;
	v4 =	vpop (erf)  }
0x86: {  	s0 =	sadd.s32 $0x2, s0;
	v5 =	vmul.f32 $1.442695020e+00, v6;
	v6 =	vld [tilespmem:s1+$0x10];
	[tilespmem:s31+$0x20] =	vst v4;
	v3 =	vadd.f32 v4, v3;
	v4 =	vpop (erf)  }
0x87: {  	p1 =	slt.u32 s0, $0x1E;
	v7 =	vmul.f32 $1.442695020e+00, v7;
	v11 =	vld [tilespmem:s1+$0x20];
	[tilespmem:s31+$0x30] =	vst v4;
	v1 =	vadd.f32 v4, v1;
	s31 =	smov.u32 s1  }
0x88: {  	v4 =	vmul.f32 $1.442695020e+00, v8;
	v8 =	vld [tilespmem:s1+$0x30];
	(erf) = vpow2.f32 v5  }
0x89: {  	v5 =	vmul.f32 $1.442695020e+00, v9;
	(erf) = vpow2.f32 v7  }
0x8a: {  	v7 =	vmul.f32 $1.442695020e+00, v10;
	(erf) = vpow2.f32 v4  }
0x8b: {  	v4 =	vmul.f32 $1.442695020e+00, v6;
	(erf) = vpow2.f32 v5  }
0x8c: {  	v5 =	vmul.f32 $1.442695020e+00, v11;
	(erf) = vpow2.f32 v7  }
0x8d: {  	v6 =	vmul.f32 $1.442695020e+00, v8;
	(erf) = vpow2.f32 v4  }
.Ltmp5:
0x8e: {  	(erf) = vpow2.f32 v5;
	(pc) =	sbr.rel @p1 .LBB2_10-.Ltmp5, $3  }
0x8f: {  	(erf) = vpow2.f32 v6;
	_ =	sdelay $0x1  }
0x90: {  	v4 =	vpop (erf)  }
0x91: {  	s1 =	sadd.s32 $0x400, s1;
	[tilespmem:s31+$0xFFFFFFF0] =	vst v4;
	v5 =	vpop (erf)  }
0x92: {  	v6 =	vpop (erf)  }
0x93: {  	v7 =	vpop (erf)  }
0x94: {  	v8 =	vpop (erf)  }
0x95: {  	v0 =	vadd.f32 v5, v0;
	v2 =	vadd.f32 v6, v2;
	v9 =	vpop (erf)  }
0x96: {  	v1 =	vadd.f32 v4, v1;
	v3 =	vadd.f32 v7, v3;
	v4 =	vpop (erf)  }
0x97: {  	v0 =	vadd.f32 v8, v0;
	v2 =	vadd.f32 v9, v2;
	v10 =	vpop (erf)  }
0x98: {  	v3 =	vadd.f32 v4, v3;
	v1 =	vadd.f32 v10, v1;
	_ =	sdelay $0x1  }
0x99: {  	v0 =	vadd.f32 v2, v0;
	v1 =	vadd.f32 v1, v3;
	_ =	sdelay $0x1  }
0x9a: {  	v0 =	vadd.f32 v1, v0;
	_ =	sdelay $0x1  }
0x9b: {  	(xrf2) =	vadd.scan.msk.f32 $0xffff, v0;
	_ =	sdelay $0x9  }
0x9c: {  	v0, _, _ =	vpop (xrf2)  }
0x9d: {  	[tilespmem:s31+$0xFFFFFFC0] =	vst v5;
	v0 =	vbroadcast v0, $0xF  }
0x9e: {  	[tilespmem:s31+$0xFFFFFFD0] =	vst v6  }
0x9f: {  	[tilespmem:s31+$0xFFFFFFE0] =	vst v7;
	(erf) = vrcp.f32 v0  }
0xa0: {  	[tilespmem:s31+$0x0] =	vst v8  }
0xa1: {  	[tilespmem:s31+$0x10] =	vst v9  }
0xa2: {  	[tilespmem:s31+$0x20] =	vst v4  }
0xa3: {  	[tilespmem:s31+$0x30] =	vst v10  }
0xa4: {  	v2 =	vld [tilespmem:s30+$0xFFFFFFC0];
	_ =	sdelay $0x1  }
0xa5: {  	v5 =	vld [tilespmem:s30+$0xFFFFFFD0]  }
0xa6: {  	v7 =	vld [tilespmem:s30+$0xFFFFFFE0]  }
0xa7: {  	v3 =	vld [tilespmem:s30+$0x0];
	v0 =	vpop (erf)  }
0xa8: {  	v1 =	vld [tilespmem:s30+$0x10];
	v6 =	vmul.f32 v2, v0  }
0xa9: {  	v4 =	vld [tilespmem:s30+$0x20]  }
0xaa: {  	v2 =	vld [tilespmem:s30+$0x30];
	[tilespmem:s30+$0xFFFFFFC0] =	vst v6;
	v6 =	vmul.f32 v5, v0  }
0xab: {  	s1 =	simm.s32 $0x0;
	s0 =	smov.u32 s30;
	s31 =	sadd.s32 $0x400, s30;
	v7 =	vmul.f32 v7, v0;
	v5 =	vld [tilespmem:s30+$0xFFFFFFF0]  }
.LBB2_12:
0xac: {  	v8 =	vld [tilespmem:s31+$0xFFFFFFC0];
	[tilespmem:s0+$0xFFFFFFD0] =	vst v6;
	v3 =	vmul.f32 v3, v0  }
0xad: {  	s1 =	sadd.s32 $0x8, s1;
	v6 =	vld [tilespmem:s31+$0xFFFFFFD0];
	[tilespmem:s0+$0xFFFFFFE0] =	vst v7;
	v1 =	vmul.f32 v1, v0  }
0xae: {  	p1 =	slt.u32 s1, $0x78;
	v7 =	vld [tilespmem:s31+$0xFFFFFFE0];
	[tilespmem:s0+$0x0] =	vst v3;
	v4 =	vmul.f32 v4, v0  }
.Ltmp6:
0xaf: {  	v3 =	vld [tilespmem:s31+$0x0];
	[tilespmem:s0+$0x10] =	vst v1;
	v2 =	vmul.f32 v2, v0;
	(pc) =	sbr.rel @p1 .LBB2_12-.Ltmp6, $4  }
0xb0: {  	v1 =	vld [tilespmem:s31+$0x10];
	v5 =	vmul.f32 v5, v0;
	[tilespmem:s0+$0x20] =	vst v4  }
0xb1: {  	v8 =	vmul.f32 v8, v0;
	v4 =	vld [tilespmem:s31+$0x20];
	[tilespmem:s0+$0x30] =	vst v2  }
0xb2: {  	v6 =	vmul.f32 v6, v0;
	v2 =	vld [tilespmem:s31+$0x30];
	[tilespmem:s0+$0xFFFFFFF0] =	vst v5;
	s0 =	smov.u32 s31  }
0xb3: {  	s31 =	sadd.s32 $0x400, s31;
	[tilespmem:s0+$0xFFFFFFC0] =	vst v8;
	v7 =	vmul.f32 v7, v0;
	v5 =	vld [tilespmem:s0+$0xFFFFFFF0]  }
0xb4: {  	[tilespmem:s0+$0xFFFFFFD0] =	vst v6;
	v3 =	vmul.f32 v3, v0;
	s29 =	sadd.s32 $0x1, s29  }
0xb5: {  	[tilespmem:s0+$0xFFFFFFE0] =	vst v7;
	v1 =	vmul.f32 v1, v0;
	p1 =	sne.s32 s29, $0x8  }
.Ltmp7:
0xb6: {  	[tilespmem:s0+$0x0] =	vst v3;
	v61 =	vmul.f32 v4, v0;
	(pc) =	sbr.rel @p1 .LBB2_9-.Ltmp7, $4  }
0xb7: {  	[tilespmem:s0+$0x10] =	vst v1;
	v62 =	vmul.f32 v2, v0  }
0xb8: {  	v63 =	vmul.f32 v5, v0;
	[tilespmem:s0+$0x20] =	vst v61  }
0xb9: {  	[tilespmem:s0+$0x30] =	vst v62  }
0xba: {  	s30 =	sadd.s32 $0x80, s30;
	[tilespmem:s0+$0xFFFFFFF0] =	vst v63  }
0xbb: {  	s0 =	sadd.s32 s3, s26  }
0xbc: {  	s0 =	sadd.s32 $0x800, s0  }
0xbd: {  	[hbm4b:s0+s4] =	stream.linear.scatter [tilespmem:s12], [sflag:$0x6], $0x4000, $0x38;
	[tilespmem:$0x10000] =	vst v63  }
0xbe: {  	s0 =	simm.s32 @!p0 $0x8  }
0xbf: {  	_ =	swait.ge @!p0 [sflag:s0], $0x4000  }
0xc0: {  	s26 =	sadd.s32 $0x1800, s26;
	[sflag:s0] =	ssyncset.done @!p0 $0x0  }
0xc1: {  	s29 =	simm.s32 $0x0;
	s31 =	sadd.s32 s2, s26;
	[sflag:s0] =	ssyncadd.s32 @!p0 $0xFFFFC000  }
0xc2: {  	[tilespmem:s16], [sflag:$0x4] =	stream.linear.gather [hbm4b:s31+s29], $0x4000, $0x38;
	[tilespmem:$0x10000] =	vst v63  }
0xc3: {  	_ =	swait.ge [sflag:s17], $0x4000  }
0xc4: {  	[sflag:s17] =	ssyncset.done $0x0  }
0xc5: {  	s30 =	simm.s32 $0x8040;
	[sflag:s17] =	ssyncadd.s32 $0xFFFFC000  }
.LBB2_15:
0xc6: {  	v0 =	vld [tilespmem:s30+$0xFFFFFFF0]  }
0xc7: {  	v1 =	vld [tilespmem:s30+$0xFFFFFFC0];
	_ =	sdelay $0x1  }
0xc8: {  	v2 =	vld [tilespmem:s30+$0xFFFFFFD0]  }
0xc9: {  	v3 =	vld [tilespmem:s30+$0xFFFFFFE0]  }
0xca: {  	v4 =	vld [tilespmem:s30+$0x0];
	v0 =	vmul.f32 $1.442695020e+00, v0  }
0xcb: {  	v5 =	vld [tilespmem:s30+$0x10];
	v1 =	vmul.f32 $1.442695020e+00, v1  }
0xcc: {  	(erf) = vpow2.f32 v0;
	v0 =	vld [tilespmem:s30+$0x20]  }
0xcd: {  	(erf) = vpow2.f32 v1;
	v1 =	vmul.f32 $1.442695020e+00, v2;
	v2 =	vld [tilespmem:s30+$0x30]  }
0xce: {  	v3 =	vmul.f32 $1.442695020e+00, v3  }
0xcf: {  	v4 =	vmul.f32 $1.442695020e+00, v4;
	(erf) = vpow2.f32 v1  }
0xd0: {  	v1 =	vmul.f32 $1.442695020e+00, v5;
	(erf) = vpow2.f32 v3  }
0xd1: {  	v0 =	vmul.f32 $1.442695020e+00, v0;
	(erf) = vpow2.f32 v4  }
0xd2: {  	v2 =	vmul.f32 $1.442695020e+00, v2;
	(erf) = vpow2.f32 v1  }
0xd3: {  	(erf) = vpow2.f32 v0  }
0xd4: {  	(erf) = vpow2.f32 v2;
	_ =	sdelay $0x1  }
0xd5: {  	v3 =	vimm.f32 $0.0e+00;
	v4 =	vpop (erf)  }
0xd6: {  	s0 =	simm.s32 $0x0;
	s1 =	sadd.s32 $0x400, s30;
	s31 =	smov.u32 s30;
	v1 =	vimm.f32 $0.0e+00;
	v0 =	vimm.f32 $0.0e+00;
	v2 =	vimm.f32 $0.0e+00;
	[tilespmem:s30+$0xFFFFFFF0] =	vst v4;
	v5 =	vpop (erf)  }
.LBB2_16:
0xd7: {  	v6 =	vld [tilespmem:s1+$0xFFFFFFF0];
	[tilespmem:s31+$0xFFFFFFC0] =	vst v5;
	v0 =	vadd.f32 v5, v0;
	v5 =	vpop (erf)  }
0xd8: {  	v7 =	vld [tilespmem:s1+$0xFFFFFFC0];
	[tilespmem:s31+$0xFFFFFFD0] =	vst v5;
	v2 =	vadd.f32 v5, v2;
	v5 =	vpop (erf)  }
0xd9: {  	v8 =	vld [tilespmem:s1+$0xFFFFFFD0];
	[tilespmem:s31+$0xFFFFFFE0] =	vst v5;
	v3 =	vadd.f32 v5, v3;
	v5 =	vpop (erf)  }
0xda: {  	v9 =	vld [tilespmem:s1+$0xFFFFFFE0];
	[tilespmem:s31+$0x0] =	vst v5;
	v0 =	vadd.f32 v5, v0;
	v5 =	vpop (erf)  }
0xdb: {  	v1 =	vadd.f32 v4, v1;
	v10 =	vld [tilespmem:s1+$0x0];
	[tilespmem:s31+$0x10] =	vst v5;
	v2 =	vadd.f32 v5, v2;
	v4 =	vpop (erf)  }
0xdc: {  	s0 =	sadd.s32 $0x2, s0;
	v5 =	vmul.f32 $1.442695020e+00, v6;
	v6 =	vld [tilespmem:s1+$0x10];
	[tilespmem:s31+$0x20] =	vst v4;
	v3 =	vadd.f32 v4, v3;
	v4 =	vpop (erf)  }
0xdd: {  	p0 =	slt.u32 s0, $0x1E;
	v7 =	vmul.f32 $1.442695020e+00, v7;
	v11 =	vld [tilespmem:s1+$0x20];
	[tilespmem:s31+$0x30] =	vst v4;
	v1 =	vadd.f32 v4, v1;
	s31 =	smov.u32 s1  }
0xde: {  	v4 =	vmul.f32 $1.442695020e+00, v8;
	v8 =	vld [tilespmem:s1+$0x30];
	(erf) = vpow2.f32 v5  }
0xdf: {  	v5 =	vmul.f32 $1.442695020e+00, v9;
	(erf) = vpow2.f32 v7  }
0xe0: {  	v7 =	vmul.f32 $1.442695020e+00, v10;
	(erf) = vpow2.f32 v4  }
0xe1: {  	v4 =	vmul.f32 $1.442695020e+00, v6;
	(erf) = vpow2.f32 v5  }
0xe2: {  	v5 =	vmul.f32 $1.442695020e+00, v11;
	(erf) = vpow2.f32 v7  }
0xe3: {  	v6 =	vmul.f32 $1.442695020e+00, v8;
	(erf) = vpow2.f32 v4  }
.Ltmp8:
0xe4: {  	(erf) = vpow2.f32 v5;
	(pc) =	sbr.rel @p0 .LBB2_16-.Ltmp8, $3  }
0xe5: {  	(erf) = vpow2.f32 v6;
	_ =	sdelay $0x1  }
0xe6: {  	v4 =	vpop (erf)  }
0xe7: {  	s1 =	sadd.s32 $0x400, s1;
	[tilespmem:s31+$0xFFFFFFF0] =	vst v4;
	v5 =	vpop (erf)  }
0xe8: {  	v6 =	vpop (erf)  }
0xe9: {  	v7 =	vpop (erf)  }
0xea: {  	v8 =	vpop (erf)  }
0xeb: {  	v0 =	vadd.f32 v5, v0;
	v2 =	vadd.f32 v6, v2;
	v9 =	vpop (erf)  }
0xec: {  	v1 =	vadd.f32 v4, v1;
	v3 =	vadd.f32 v7, v3;
	v4 =	vpop (erf)  }
0xed: {  	v0 =	vadd.f32 v8, v0;
	v2 =	vadd.f32 v9, v2;
	v10 =	vpop (erf)  }
0xee: {  	v3 =	vadd.f32 v4, v3;
	v1 =	vadd.f32 v10, v1;
	_ =	sdelay $0x1  }
0xef: {  	v0 =	vadd.f32 v2, v0;
	v1 =	vadd.f32 v1, v3;
	_ =	sdelay $0x1  }
0xf0: {  	v0 =	vadd.f32 v1, v0;
	_ =	sdelay $0x1  }
0xf1: {  	(xrf2) =	vadd.scan.msk.f32 $0xffff, v0;
	_ =	sdelay $0x9  }
0xf2: {  	v0, _, _ =	vpop (xrf2)  }
0xf3: {  	[tilespmem:s31+$0xFFFFFFC0] =	vst v5;
	v0 =	vbroadcast v0, $0xF  }
0xf4: {  	[tilespmem:s31+$0xFFFFFFD0] =	vst v6  }
0xf5: {  	[tilespmem:s31+$0xFFFFFFE0] =	vst v7;
	(erf) = vrcp.f32 v0  }
0xf6: {  	[tilespmem:s31+$0x0] =	vst v8  }
0xf7: {  	[tilespmem:s31+$0x10] =	vst v9  }
0xf8: {  	[tilespmem:s31+$0x20] =	vst v4  }
0xf9: {  	[tilespmem:s31+$0x30] =	vst v10  }
0xfa: {  	v2 =	vld [tilespmem:s30+$0xFFFFFFC0];
	_ =	sdelay $0x1  }
0xfb: {  	v5 =	vld [tilespmem:s30+$0xFFFFFFD0]  }
0xfc: {  	v7 =	vld [tilespmem:s30+$0xFFFFFFE0]  }
0xfd: {  	v3 =	vld [tilespmem:s30+$0x0];
	v0 =	vpop (erf)  }
0xfe: {  	v1 =	vld [tilespmem:s30+$0x10];
	v6 =	vmul.f32 v2, v0  }
0xff: {  	v4 =	vld [tilespmem:s30+$0x20]  }
0x100: {  	v2 =	vld [tilespmem:s30+$0x30];
	[tilespmem:s30+$0xFFFFFFC0] =	vst v6;
	v6 =	vmul.f32 v5, v0  }
0x101: {  	s1 =	simm.s32 $0x0;
	s0 =	smov.u32 s30;
	s31 =	sadd.s32 $0x400, s30;
	v7 =	vmul.f32 v7, v0;
	v5 =	vld [tilespmem:s30+$0xFFFFFFF0]  }
.LBB2_18:
0x102: {  	v8 =	vld [tilespmem:s31+$0xFFFFFFC0];
	[tilespmem:s0+$0xFFFFFFD0] =	vst v6;
	v3 =	vmul.f32 v3, v0  }
0x103: {  	s1 =	sadd.s32 $0x8, s1;
	v6 =	vld [tilespmem:s31+$0xFFFFFFD0];
	[tilespmem:s0+$0xFFFFFFE0] =	vst v7;
	v1 =	vmul.f32 v1, v0  }
0x104: {  	p0 =	slt.u32 s1, $0x78;
	v7 =	vld [tilespmem:s31+$0xFFFFFFE0];
	[tilespmem:s0+$0x0] =	vst v3;
	v4 =	vmul.f32 v4, v0  }
.Ltmp9:
0x105: {  	v3 =	vld [tilespmem:s31+$0x0];
	[tilespmem:s0+$0x10] =	vst v1;
	v2 =	vmul.f32 v2, v0;
	(pc) =	sbr.rel @p0 .LBB2_18-.Ltmp9, $4  }
0x106: {  	v1 =	vld [tilespmem:s31+$0x10];
	v5 =	vmul.f32 v5, v0;
	[tilespmem:s0+$0x20] =	vst v4  }
0x107: {  	v8 =	vmul.f32 v8, v0;
	v4 =	vld [tilespmem:s31+$0x20];
	[tilespmem:s0+$0x30] =	vst v2  }
0x108: {  	v6 =	vmul.f32 v6, v0;
	v2 =	vld [tilespmem:s31+$0x30];
	[tilespmem:s0+$0xFFFFFFF0] =	vst v5;
	s0 =	smov.u32 s31  }
0x109: {  	s31 =	sadd.s32 $0x400, s31;
	[tilespmem:s0+$0xFFFFFFC0] =	vst v8;
	v7 =	vmul.f32 v7, v0;
	v5 =	vld [tilespmem:s0+$0xFFFFFFF0]  }
0x10a: {  	[tilespmem:s0+$0xFFFFFFD0] =	vst v6;
	v3 =	vmul.f32 v3, v0;
	s29 =	sadd.s32 $0x1, s29  }
0x10b: {  	[tilespmem:s0+$0xFFFFFFE0] =	vst v7;
	v1 =	vmul.f32 v1, v0;
	p0 =	sne.s32 s29, $0x8  }
.Ltmp10:
0x10c: {  	[tilespmem:s0+$0x0] =	vst v3;
	v61 =	vmul.f32 v4, v0;
	(pc) =	sbr.rel @p0 .LBB2_15-.Ltmp10, $4  }
0x10d: {  	[tilespmem:s0+$0x10] =	vst v1;
	v62 =	vmul.f32 v2, v0  }
0x10e: {  	v63 =	vmul.f32 v5, v0;
	[tilespmem:s0+$0x20] =	vst v61  }
0x10f: {  	[tilespmem:s0+$0x30] =	vst v62  }
0x110: {  	s30 =	sadd.s32 $0x80, s30;
	[tilespmem:s0+$0xFFFFFFF0] =	vst v63  }
0x111: {  	s0 =	sadd.s32 s3, s28;
	p0 =	seq.s32 s24, $0x1F  }
0x112: {  	[hbm4b:s0+s4] =	stream.linear.scatter [tilespmem:s14], [sflag:$0x7], $0x4000, $0x38;
	[tilespmem:$0x10000] =	vst v63  }
0x113: {  	s0 =	sadd.s32 @!p0 s25, s9  }
0x114: {  	_ =	swait.ge [sflag:s18], $0x4000;
	s0 =	sshll.u32 @!p0 s0, $0xB  }
0x115: {  	[sflag:s18] =	ssyncset.done $0x0;
	s0 =	sand.u32 @!p0 $0x1FFFE000, s0  }
0x116: {  	s1 =	simm.s32 @!p0 $0x0;
	[sflag:s18] =	ssyncadd.s32 $0xFFFFC000;
	s0 =	sadd.s32 @!p0 s2, s0  }
0x117: {  	[tilespmem:s1], [sflag:$0x1] =	stream.linear.gather @!p0 [hbm4b:s0+s1], $0x4000, $0x38;
	[tilespmem:$0x10000] =	vst v63  }
0x118: {  	_ =	swait.ge [sflag:s19], $0x4000  }
0x119: {  	[sflag:s19] =	ssyncset.done $0x0  }
0x11a: {  	s28 =	simm.s32 $0x0;
	s29 =	simm.s32 $0xC040;
	[sflag:s19] =	ssyncadd.s32 $0xFFFFC000  }
.LBB2_21:
0x11b: {  	v0 =	vld [tilespmem:s29+$0xFFFFFFF0]  }
0x11c: {  	v1 =	vld [tilespmem:s29+$0xFFFFFFC0];
	_ =	sdelay $0x1  }
0x11d: {  	v2 =	vld [tilespmem:s29+$0xFFFFFFD0]  }
0x11e: {  	v3 =	vld [tilespmem:s29+$0xFFFFFFE0]  }
0x11f: {  	v4 =	vld [tilespmem:s29+$0x0];
	v0 =	vmul.f32 $1.442695020e+00, v0  }
0x120: {  	v5 =	vld [tilespmem:s29+$0x10];
	v1 =	vmul.f32 $1.442695020e+00, v1  }
0x121: {  	(erf) = vpow2.f32 v0;
	v0 =	vld [tilespmem:s29+$0x20]  }
0x122: {  	(erf) = vpow2.f32 v1;
	v1 =	vmul.f32 $1.442695020e+00, v2;
	v2 =	vld [tilespmem:s29+$0x30]  }
0x123: {  	v3 =	vmul.f32 $1.442695020e+00, v3  }
0x124: {  	v4 =	vmul.f32 $1.442695020e+00, v4;
	(erf) = vpow2.f32 v1  }
0x125: {  	v1 =	vmul.f32 $1.442695020e+00, v5;
	(erf) = vpow2.f32 v3  }
0x126: {  	v0 =	vmul.f32 $1.442695020e+00, v0;
	(erf) = vpow2.f32 v4  }
0x127: {  	v2 =	vmul.f32 $1.442695020e+00, v2;
	(erf) = vpow2.f32 v1  }
0x128: {  	(erf) = vpow2.f32 v0  }
0x129: {  	(erf) = vpow2.f32 v2;
	_ =	sdelay $0x1  }
0x12a: {  	v3 =	vimm.f32 $0.0e+00;
	v4 =	vpop (erf)  }
0x12b: {  	s0 =	simm.s32 $0x0;
	s1 =	sadd.s32 $0x400, s29;
	s30 =	smov.u32 s29;
	v1 =	vimm.f32 $0.0e+00;
	v0 =	vimm.f32 $0.0e+00;
	v2 =	vimm.f32 $0.0e+00;
	[tilespmem:s29+$0xFFFFFFF0] =	vst v4;
	v5 =	vpop (erf)  }
.LBB2_22:
0x12c: {  	v6 =	vld [tilespmem:s1+$0xFFFFFFF0];
	[tilespmem:s30+$0xFFFFFFC0] =	vst v5;
	v0 =	vadd.f32 v5, v0;
	v5 =	vpop (erf)  }
0x12d: {  	v7 =	vld [tilespmem:s1+$0xFFFFFFC0];
	[tilespmem:s30+$0xFFFFFFD0] =	vst v5;
	v2 =	vadd.f32 v5, v2;
	v5 =	vpop (erf)  }
0x12e: {  	v8 =	vld [tilespmem:s1+$0xFFFFFFD0];
	[tilespmem:s30+$0xFFFFFFE0] =	vst v5;
	v3 =	vadd.f32 v5, v3;
	v5 =	vpop (erf)  }
0x12f: {  	v9 =	vld [tilespmem:s1+$0xFFFFFFE0];
	[tilespmem:s30+$0x0] =	vst v5;
	v0 =	vadd.f32 v5, v0;
	v5 =	vpop (erf)  }
0x130: {  	v1 =	vadd.f32 v4, v1;
	v10 =	vld [tilespmem:s1+$0x0];
	[tilespmem:s30+$0x10] =	vst v5;
	v2 =	vadd.f32 v5, v2;
	v4 =	vpop (erf)  }
0x131: {  	s0 =	sadd.s32 $0x2, s0;
	v5 =	vmul.f32 $1.442695020e+00, v6;
	v6 =	vld [tilespmem:s1+$0x10];
	[tilespmem:s30+$0x20] =	vst v4;
	v3 =	vadd.f32 v4, v3;
	v4 =	vpop (erf)  }
0x132: {  	p1 =	slt.u32 s0, $0x1E;
	v7 =	vmul.f32 $1.442695020e+00, v7;
	v11 =	vld [tilespmem:s1+$0x20];
	[tilespmem:s30+$0x30] =	vst v4;
	v1 =	vadd.f32 v4, v1;
	s30 =	smov.u32 s1  }
0x133: {  	v4 =	vmul.f32 $1.442695020e+00, v8;
	v8 =	vld [tilespmem:s1+$0x30];
	(erf) = vpow2.f32 v5  }
0x134: {  	v5 =	vmul.f32 $1.442695020e+00, v9;
	(erf) = vpow2.f32 v7  }
0x135: {  	v7 =	vmul.f32 $1.442695020e+00, v10;
	(erf) = vpow2.f32 v4  }
0x136: {  	v4 =	vmul.f32 $1.442695020e+00, v6;
	(erf) = vpow2.f32 v5  }
0x137: {  	v5 =	vmul.f32 $1.442695020e+00, v11;
	(erf) = vpow2.f32 v7  }
0x138: {  	v6 =	vmul.f32 $1.442695020e+00, v8;
	(erf) = vpow2.f32 v4  }
.Ltmp11:
0x139: {  	(erf) = vpow2.f32 v5;
	(pc) =	sbr.rel @p1 .LBB2_22-.Ltmp11, $3  }
0x13a: {  	(erf) = vpow2.f32 v6;
	_ =	sdelay $0x1  }
0x13b: {  	v4 =	vpop (erf)  }
0x13c: {  	s1 =	sadd.s32 $0x400, s1;
	[tilespmem:s30+$0xFFFFFFF0] =	vst v4;
	v5 =	vpop (erf)  }
0x13d: {  	v6 =	vpop (erf)  }
0x13e: {  	v7 =	vpop (erf)  }
0x13f: {  	v8 =	vpop (erf)  }
0x140: {  	v0 =	vadd.f32 v5, v0;
	v2 =	vadd.f32 v6, v2;
	v9 =	vpop (erf)  }
0x141: {  	v1 =	vadd.f32 v4, v1;
	v3 =	vadd.f32 v7, v3;
	v4 =	vpop (erf)  }
0x142: {  	v0 =	vadd.f32 v8, v0;
	v2 =	vadd.f32 v9, v2;
	v10 =	vpop (erf)  }
0x143: {  	v3 =	vadd.f32 v4, v3;
	v1 =	vadd.f32 v10, v1;
	_ =	sdelay $0x1  }
0x144: {  	v0 =	vadd.f32 v2, v0;
	v1 =	vadd.f32 v1, v3;
	_ =	sdelay $0x1  }
0x145: {  	v0 =	vadd.f32 v1, v0;
	_ =	sdelay $0x1  }
0x146: {  	(xrf2) =	vadd.scan.msk.f32 $0xffff, v0;
	_ =	sdelay $0x9  }
0x147: {  	v0, _, _ =	vpop (xrf2)  }
0x148: {  	[tilespmem:s30+$0xFFFFFFC0] =	vst v5;
	v0 =	vbroadcast v0, $0xF  }
0x149: {  	[tilespmem:s30+$0xFFFFFFD0] =	vst v6  }
0x14a: {  	[tilespmem:s30+$0xFFFFFFE0] =	vst v7;
	(erf) = vrcp.f32 v0  }
0x14b: {  	[tilespmem:s30+$0x0] =	vst v8  }
0x14c: {  	[tilespmem:s30+$0x10] =	vst v9  }
0x14d: {  	[tilespmem:s30+$0x20] =	vst v4  }
0x14e: {  	[tilespmem:s30+$0x30] =	vst v10  }
0x14f: {  	v2 =	vld [tilespmem:s29+$0xFFFFFFC0];
	_ =	sdelay $0x1  }
0x150: {  	v5 =	vld [tilespmem:s29+$0xFFFFFFD0]  }
0x151: {  	v7 =	vld [tilespmem:s29+$0xFFFFFFE0]  }
0x152: {  	v3 =	vld [tilespmem:s29+$0x0];
	v0 =	vpop (erf)  }
0x153: {  	v1 =	vld [tilespmem:s29+$0x10];
	v6 =	vmul.f32 v2, v0  }
0x154: {  	v4 =	vld [tilespmem:s29+$0x20]  }
0x155: {  	v2 =	vld [tilespmem:s29+$0x30];
	[tilespmem:s29+$0xFFFFFFC0] =	vst v6;
	v6 =	vmul.f32 v5, v0  }
0x156: {  	s1 =	simm.s32 $0x0;
	s0 =	smov.u32 s29;
	s30 =	sadd.s32 $0x400, s29;
	v7 =	vmul.f32 v7, v0;
	v5 =	vld [tilespmem:s29+$0xFFFFFFF0]  }
.LBB2_24:
0x157: {  	v8 =	vld [tilespmem:s30+$0xFFFFFFC0];
	[tilespmem:s0+$0xFFFFFFD0] =	vst v6;
	v3 =	vmul.f32 v3, v0  }
0x158: {  	s1 =	sadd.s32 $0x8, s1;
	v6 =	vld [tilespmem:s30+$0xFFFFFFD0];
	[tilespmem:s0+$0xFFFFFFE0] =	vst v7;
	v1 =	vmul.f32 v1, v0  }
0x159: {  	p1 =	slt.u32 s1, $0x78;
	v7 =	vld [tilespmem:s30+$0xFFFFFFE0];
	[tilespmem:s0+$0x0] =	vst v3;
	v4 =	vmul.f32 v4, v0  }
.Ltmp12:
0x15a: {  	v3 =	vld [tilespmem:s30+$0x0];
	[tilespmem:s0+$0x10] =	vst v1;
	v2 =	vmul.f32 v2, v0;
	(pc) =	sbr.rel @p1 .LBB2_24-.Ltmp12, $4  }
0x15b: {  	v1 =	vld [tilespmem:s30+$0x10];
	v5 =	vmul.f32 v5, v0;
	[tilespmem:s0+$0x20] =	vst v4  }
0x15c: {  	v8 =	vmul.f32 v8, v0;
	v4 =	vld [tilespmem:s30+$0x20];
	[tilespmem:s0+$0x30] =	vst v2  }
0x15d: {  	v6 =	vmul.f32 v6, v0;
	v2 =	vld [tilespmem:s30+$0x30];
	[tilespmem:s0+$0xFFFFFFF0] =	vst v5;
	s0 =	smov.u32 s30  }
0x15e: {  	s30 =	sadd.s32 $0x400, s30;
	[tilespmem:s0+$0xFFFFFFC0] =	vst v8;
	v7 =	vmul.f32 v7, v0;
	v5 =	vld [tilespmem:s0+$0xFFFFFFF0]  }
0x15f: {  	[tilespmem:s0+$0xFFFFFFD0] =	vst v6;
	v3 =	vmul.f32 v3, v0;
	s28 =	sadd.s32 $0x1, s28  }
0x160: {  	[tilespmem:s0+$0xFFFFFFE0] =	vst v7;
	v1 =	vmul.f32 v1, v0;
	p1 =	sne.s32 s28, $0x8  }
.Ltmp13:
0x161: {  	[tilespmem:s0+$0x0] =	vst v3;
	v61 =	vmul.f32 v4, v0;
	(pc) =	sbr.rel @p1 .LBB2_21-.Ltmp13, $4  }
0x162: {  	[tilespmem:s0+$0x10] =	vst v1;
	v62 =	vmul.f32 v2, v0  }
0x163: {  	v63 =	vmul.f32 v5, v0;
	[tilespmem:s0+$0x20] =	vst v61  }
0x164: {  	[tilespmem:s0+$0x30] =	vst v62  }
0x165: {  	s29 =	sadd.s32 $0x80, s29;
	[tilespmem:s0+$0xFFFFFFF0] =	vst v63  }
.Ltmp14:
0x166: {  	s0 =	sadd.s32 s3, s26;
	(pc) =	sbr.rel @p0 .LBB2_28-.Ltmp14, $4  }
0x167: {  	[hbm4b:s0+s4] =	stream.linear.scatter [tilespmem:s16], [sflag:$0x8], $0x4000, $0x38;
	[tilespmem:$0x10000] =	vst v63  }
0x168: {  	_ =	swait.ge [sflag:s20], $0x4000  }
0x169: {  	[sflag:s20] =	ssyncset.done $0x0  }
0x16a: {  	[sflag:s20] =	ssyncadd.s32 $0xFFFFC000  }
.Ltmp15:
0x16b: {  	(pc) =	sbr.rel .LBB2_2-.Ltmp15, $4  }
0x16c: {  	s0 =	sadd.s32 s25, s10  }
0x16d: {  	s0 =	sshll.u32 s0, $0xB  }
0x16e: {  	s24 =	sadd.s32 $0x1, s24;
	s0 =	sadd.s32 s2, s0  }
0x16f: {  	[tilespmem:s12], [sflag:$0x2] =	stream.linear.gather [hbm4b:s0+s4], $0x4000, $0x38;
	[tilespmem:$0x10000] =	vst v63  }
.LBB2_29:
0x170: {  	_ =	sfence.sel $0x180000  }
0x171: {  	[bflag:$0x0] =	sbarrier.arrive $0xFFFF  }
0x172: {  	_ =	strace $0x90000047  }
0x173: {  	s0 =	stileid.u32;
	[bflag:$0x2] =	sbarrier.arrive $0xFFFF  }
0x174: {  	p0 =	sne.s32 s0, $0x0;
	s0 =	rddreg [dreg:$0x2]  }
0x175: {  	s0 =	sadd.s32 @!p0 $0x100000, s0  }
0x176: {  	[sflag:s0] =	ssyncadd.tile.s32 @!p0 $0x1;
	_ =	shalt  }
.Lfunc_end2:
_tile_overlayer_lowered:
.L_overlay_start_2:
0x177: {  	(tag) =	ssettag $0x2  }
0x178: {  	s0 =	rddreg [dreg:$0x0];
	s2 =	stileid.u32  }
0x179: {  	s1 =	rddreg [dreg:$0x1];
	p0 =	sne.s32 s2, $0x0  }
0x17a: {  	s3 =	rddreg [dreg:$0x2];
	[bflag:$0x3] =	sbarrier.arrive $0xFFFF;
	s2 =	simm.s32 @!p0 $0x1C09  }
0x17b: {  	[timem:s3], [sflag:s2] =	dma.local @!p0 [hbm:s0], s1  }
0x17c: {  	s0 =	simm.s32 @!p0 $0x9  }
0x17d: {  	_ =	swait.ge @!p0 [sflag:s0], s1  }
0x17e: {  	s1 =	ssub.s32 @!p0 $0x0, s1;
	[sflag:s0] =	ssyncset.done @!p0 $0x0  }
0x17f: {  	[sflag:s0] =	ssyncadd.s32 @!p0 s1  }
0x180: {  	[bflag:$0x3] =	sbarrier.arrive $0xFFFF  }
0x181: {  	_ =	shalt  }

</sc_bundles>
